<compile_context>
chip_gen: v7x
topology: tpu7x:2x2x1
jax: 0.10.2.dev20260603
libtpu: 0.0.44.dev20260713+nightly
codegen_flags: <defaults>
</compile_context>

<pallas_src>
import functools

import jax
import jax.numpy as jnp
from jax import lax
from jax.experimental import pallas as pl
from jax.experimental.pallas import tpu as pltpu
from jax.experimental.pallas import tpu_sc as plsc

N = 10000
NP = 10008
E = 320000
DF = 128
DH = 128
NC_OUT = 40

NCORE = 2
NSUB = 16
B = 256
ET = E // (NCORE * NSUB)
NB = 40
ETP = NB * B
NDR = 10
STRIPE = N // NDR
RCH = 5
RB = STRIPE // RCH
NPD = 10240
NDRD = 5
DSTRIPE = NPD // NDRD

_mesh = plsc.VectorSubcoreMesh(core_axis_name="c", subcore_axis_name="s")


@functools.partial(
    pl.kernel,
    out_type=jax.ShapeDtypeStruct((NCORE * NPD,), jnp.float32),
    mesh=_mesh,
    scratch_types=[
        pltpu.VMEM_SHARED((NPD,), jnp.float32),
        pltpu.VMEM((ETP,), jnp.int32),
        pltpu.VMEM((ETP,), jnp.float32),
    ],
)
def _deg_kernel(dstf_hbm, zcol_hbm, ones_hbm, out_hbm, acc, didx, onesv):
    c = lax.axis_index("c")
    s = lax.axis_index("s")
    pltpu.sync_copy(dstf_hbm.at[c, s], didx)
    pltpu.sync_copy(ones_hbm, onesv)

    @pl.when(s < NDRD)
    def _():
        pltpu.sync_copy(zcol_hbm, acc.at[pl.ds(s * DSTRIPE, DSTRIPE)])

    plsc.subcore_barrier()
    pltpu.sync_copy(onesv, acc.at[didx], add=True)
    plsc.subcore_barrier()

    @pl.when(s < NDRD)
    def _():
        pltpu.sync_copy(acc.at[pl.ds(s * DSTRIPE, DSTRIPE)],
                        out_hbm.at[pl.ds(c * NPD + s * DSTRIPE, DSTRIPE)])


@functools.partial(
    pl.kernel,
    out_type=jax.ShapeDtypeStruct((NCORE, NP, DH), jnp.float32),
    mesh=_mesh,
    scratch_types=[
        pltpu.VMEM_SHARED((NP, DH), jnp.float32),
        pltpu.VMEM((ETP,), jnp.int32),
        pltpu.VMEM((ETP // 2,), jnp.int32),
        pltpu.VMEM((B, DH), jnp.float32),
        pltpu.SemaphoreType.DMA,
    ],
)
def _pass_kernel(g_hbm, eidx_hbm, zrow_hbm, out_hbm, acc, sidx, didx, buf,
                 sem):
    c = lax.axis_index("c")
    s = lax.axis_index("s")
    pltpu.sync_copy(eidx_hbm.at[0, c, s], sidx)
    pltpu.sync_copy(eidx_hbm.at[1, c, s, pl.ds(0, ETP // 2)], didx)

    @pl.when(s < NDR)
    def _():
        for k in range(RCH):
            rows = pl.ds(s * STRIPE + k * RB, RB)

            @pl.when(c == 0)
            def _():
                pltpu.sync_copy(g_hbm.at[rows], acc.at[rows])

            @pl.when(c == 1)
            def _():
                pltpu.sync_copy(zrow_hbm, acc.at[rows])

    @pl.when(s == NDR)
    def _():
        pltpu.sync_copy(zrow_hbm.at[pl.ds(0, NP - N)], acc.at[pl.ds(N, NP - N)])

    plsc.subcore_barrier()

    def body(j, _):
        pltpu.async_copy(g_hbm.at[sidx.at[pl.ds(j * B, B)]], buf, sem)
        pltpu.make_async_copy(g_hbm.at[sidx.at[pl.ds(j * B, B)]], buf,
                              sem).wait()
        pltpu.sync_copy(buf, acc.at[didx.at[pl.ds((j % (NB // 2)) * B, B)]],
                        add=True)
        return 0

    lax.fori_loop(0, NB // 2, body, 0)
    pltpu.sync_copy(eidx_hbm.at[1, c, s, pl.ds(ETP // 2, ETP // 2)], didx)
    lax.fori_loop(NB // 2, NB, body, 0)
    plsc.subcore_barrier()

    @pl.when(s < NDR)
    def _():
        for k in range(RCH):
            rows = pl.ds(s * STRIPE + k * RB, RB)
            pltpu.sync_copy(acc.at[rows], out_hbm.at[c].at[rows])




def _l1_body(degp_ref, x_ref, w1_ref, g1_ref, dis_ref):
    deg = degp_ref[0, :N] + degp_ref[1, :N] + 1.0
    dis = lax.rsqrt(deg)
    dis_ref[...] = dis
    h = jnp.dot(x_ref[...], w1_ref[...], preferred_element_type=jnp.float32)
    g1_ref[:N] = h * dis[:, None]
    g1_ref[N:] = jnp.zeros((NP - N, DH), jnp.float32)


def _l2_body(s1p_ref, dis_ref, b1_ref, g2_ref):
    s1 = s1p_ref[0, :N] + s1p_ref[1, :N]
    dis = dis_ref[...]
    u = jnp.maximum(s1 * dis[:, None] + b1_ref[...][None, :], 0.0)
    g2_ref[:N] = u * dis[:, None]
    g2_ref[N:] = jnp.zeros((NP - N, DH), jnp.float32)


def _fin_body(s2p_ref, dis_ref, w2_ref, b2_ref, out_ref):
    s2 = (s2p_ref[0, :N] + s2p_ref[1, :N]) * dis_ref[...][:, None]
    out_ref[...] = (
        jnp.dot(s2, w2_ref[...], preferred_element_type=jnp.float32)
        + b2_ref[...][None, :]
    )


def _l1_call(degp, x, W1):
    return pl.pallas_call(
        _l1_body,
        out_shape=[
            jax.ShapeDtypeStruct((NP, DH), jnp.float32),
            jax.ShapeDtypeStruct((N,), jnp.float32),
        ],
    )(degp, x, W1)


def _l2_call(s1p, dis, b1):
    return pl.pallas_call(
        _l2_body,
        out_shape=jax.ShapeDtypeStruct((NP, DH), jnp.float32),
    )(s1p, dis, b1)


def _fin_call(s2p, dis, W2, b2):
    return pl.pallas_call(
        _fin_body,
        out_shape=jax.ShapeDtypeStruct((N, NC_OUT), jnp.float32),
    )(s2p, dis, W2, b2)


def kernel(x, edge_index, W1, b1, W2, b2):
    ei = edge_index.astype(jnp.int32)
    ei4 = ei.reshape(2, NCORE, NSUB, ET)
    ei4 = jnp.pad(ei4, ((0, 0), (0, 0), (0, 0), (0, ETP - ET)),
                  constant_values=N)
    zcol = jnp.zeros((DSTRIPE,), jnp.float32)
    onescol = jnp.ones((ETP,), jnp.float32)
    zrow = jnp.zeros((RB, DH), jnp.float32)

    degp = _deg_kernel(ei4[1], zcol, onescol).reshape(NCORE, NPD)
    g1, dis = _l1_call(degp, x, W1)
    s1p = _pass_kernel(g1, ei4, zrow)
    g2 = _l2_call(s1p, dis, b1)
    s2p = _pass_kernel(g2, ei4, zrow)
    return _fin_call(s2p, dis, W2, b2)

# --- scband reference (transcript-rebuilt; emitter-appended) ---
"""Pipeline reference for scband-lw-f-class-il-15985868276250 (READ-ONLY COPY).

The authoritative reference and input builder live on the scoring server;
editing this copy changes nothing except your own understanding.
"""

import jax, jax.numpy as jnp
import numpy as np

N_NODES = 10000
N_EDGES = 320000
D_FEAT = 128
D_HIDDEN = 128
N_CLASSES = 40


def gcn_conv(x, edge_index, W, b, n_nodes):
    # GCNConv with self-loops and symmetric normalization:
    # out = D^{-1/2} (A + I) D^{-1/2} (x W) + b
    src = edge_index[0]
    dst = edge_index[1]
    loop = jnp.arange(n_nodes, dtype=src.dtype)
    src = jnp.concatenate([src, loop])
    dst = jnp.concatenate([dst, loop])
    ones = jnp.ones(src.shape[0], dtype=x.dtype)
    deg = jax.ops.segment_sum(ones, dst, num_segments=n_nodes)
    deg_inv_sqrt = jnp.where(deg > 0, jax.lax.rsqrt(deg), 0.0)
    norm = deg_inv_sqrt[src] * deg_inv_sqrt[dst]
    h = x @ W  # [N, out]
    msg = h[src] * norm[:, None]
    out = jax.ops.segment_sum(msg, dst, num_segments=n_nodes)
    return out + b


def setup_inputs(seed: int = 0) -> dict:
    key = jax.random.key(seed)
    k1, k2, k3, k4, k5 = jax.random.split(key, 5)
    x = jax.random.normal(k1, (N_NODES, D_FEAT), dtype=jnp.float32)
    edge_index = jax.random.randint(k2, (2, N_EDGES), 0, N_NODES, dtype=jnp.int64)
    W1 = jax.random.normal(k3, (D_FEAT, D_HIDDEN), dtype=jnp.float32) * (1.0 / np.sqrt(D_FEAT))
    b1 = jnp.zeros((D_HIDDEN,), dtype=jnp.float32)
    W2 = jax.random.normal(k4, (D_HIDDEN, N_CLASSES), dtype=jnp.float32) * (1.0 / np.sqrt(D_HIDDEN))
    b2 = jnp.zeros((N_CLASSES,), dtype=jnp.float32)
    return {"x": x, "edge_index": edge_index, "W1": W1, "b1": b1, "W2": W2, "b2": b2}


def reference(x, edge_index, W1, b1, W2, b2):
    # backbone forward: 2-layer GCN (conv1 -> relu -> conv2), as used by
    # LwF_Class_IL via self.backbone(sub_g.x, sub_g.edge_index)
    h = gcn_conv(x, edge_index, W1, b1, N_NODES)
    h = jax.nn.relu(h)
    out = gcn_conv(h, edge_index, W2, b2, N_NODES)
    return out

if __name__ == "__main__":
    import jax
    _d = setup_inputs()
    print(jax.jit(kernel)(*tuple(_d.values())))

</pallas_src>

<mosaic_0001>
#map = affine_map<(d0, d1) -> (0, 0, 0)>
#map1 = affine_map<(d0, d1) -> (0)>
module attributes {stable_mosaic.version = 14 : i64} {
  func.func @_deg_kernel(%arg0: i32, %arg1: i32, %arg2: memref<2x16x10240xi32, #tpu.memory_space<hbm>>, %arg3: memref<2048xf32, #tpu.memory_space<hbm>>, %arg4: memref<10240xf32, #tpu.memory_space<hbm>>, %arg5: memref<20480xf32, #tpu.memory_space<hbm>>, %arg6: memref<10240xf32, #tpu.memory_space<vmem_shared>>, %arg7: memref<10240xi32, #tpu.memory_space<vmem>>, %arg8: memref<10240xf32, #tpu.memory_space<vmem>>) attributes {dimension_semantics = [#tpu.dimension_semantics<core_parallel>, #tpu.dimension_semantics<subcore_parallel>], iteration_bounds = array<i64: 2, 16>, scalar_prefetch = 0 : i64, scratch_operands = 3 : i64, tpu.core_type = #tpu.core_type<sc_vector_subcore>, window_params = [{transform_indices = #map}, {transform_indices = #map1}, {transform_indices = #map1}, {transform_indices = #map1}]} {
    "tpu.region"() ({
      %run_scoped3A = tpu.sem_alloc : memref<!tpu.dma_semaphore, #tpu.memory_space<semaphore_mem>>
      %dma_start3A = arith.constant 0 : i32
      %dma_start3A_8 = tpu.memref_slice %arg2[%arg0, %arg1, %dma_start3A] : memref<2x16x10240xi32, #tpu.memory_space<hbm>> -> memref<1x1x10240xi32, #tpu.memory_space<hbm>>
      %dma_start3A_9 = tpu.memref_squeeze %dma_start3A_8 : memref<1x1x10240xi32, #tpu.memory_space<hbm>> -> memref<10240xi32, #tpu.memory_space<hbm>>
      %dma_start3A_10 = arith.constant 0 : i32
      %dma_start3A_11 = tpu.memref_slice %arg2[%arg0, %arg1, %dma_start3A_10] : memref<2x16x10240xi32, #tpu.memory_space<hbm>> -> memref<1x1x10240xi32, #tpu.memory_space<hbm>>
      %dma_start3A_12 = tpu.memref_squeeze %dma_start3A_11 : memref<1x1x10240xi32, #tpu.memory_space<hbm>> -> memref<10240xi32, #tpu.memory_space<hbm>>
      tpu.enqueue_dma source(%dma_start3A_12 : memref<10240xi32, #tpu.memory_space<hbm>>) target(%arg7 : memref<10240xi32, #tpu.memory_space<vmem>>) target_semaphore(%run_scoped3A : memref<!tpu.dma_semaphore, #tpu.memory_space<semaphore_mem>>)
      %dma_wait3A = arith.constant 0 : i32
      %dma_wait3A_13 = tpu.memref_slice %arg2[%arg0, %arg1, %dma_wait3A] : memref<2x16x10240xi32, #tpu.memory_space<hbm>> -> memref<1x1x10240xi32, #tpu.memory_space<hbm>>
      %dma_wait3A_14 = tpu.memref_squeeze %dma_wait3A_13 : memref<1x1x10240xi32, #tpu.memory_space<hbm>> -> memref<10240xi32, #tpu.memory_space<hbm>>
      %dma_wait3A_15 = arith.constant 0 : i32
      %dma_wait3A_16 = tpu.memref_slice %arg2[%arg0, %arg1, %dma_wait3A_15] : memref<2x16x10240xi32, #tpu.memory_space<hbm>> -> memref<1x1x10240xi32, #tpu.memory_space<hbm>>
      %dma_wait3A_17 = tpu.memref_squeeze %dma_wait3A_16 : memref<1x1x10240xi32, #tpu.memory_space<hbm>> -> memref<10240xi32, #tpu.memory_space<hbm>>
      tpu.wait_dma2 semaphore(%run_scoped3A : memref<!tpu.dma_semaphore, #tpu.memory_space<semaphore_mem>>) src(%dma_wait3A_17 : memref<10240xi32, #tpu.memory_space<hbm>>) dst(%arg7 : memref<10240xi32, #tpu.memory_space<vmem>>)
      tpu.yield
    }) : () -> ()
    "tpu.region"() ({
      %run_scoped3A = tpu.sem_alloc : memref<!tpu.dma_semaphore, #tpu.memory_space<semaphore_mem>>
      tpu.enqueue_dma source(%arg4 : memref<10240xf32, #tpu.memory_space<hbm>>) target(%arg8 : memref<10240xf32, #tpu.memory_space<vmem>>) target_semaphore(%run_scoped3A : memref<!tpu.dma_semaphore, #tpu.memory_space<semaphore_mem>>)
      tpu.wait_dma2 semaphore(%run_scoped3A : memref<!tpu.dma_semaphore, #tpu.memory_space<semaphore_mem>>) src(%arg4 : memref<10240xf32, #tpu.memory_space<hbm>>) dst(%arg8 : memref<10240xf32, #tpu.memory_space<vmem>>)
      tpu.yield
    }) : () -> ()
    %lt3A = arith.constant 5 : i32
    %lt3A_0 = arith.cmpi slt, %arg1, %lt3A : i32
    %convert_element_type3A = arith.extui %lt3A_0 : i1 to i32
    %cond3A = arith.constant 0 : i32
    %cond3A_1 = arith.cmpi ne, %convert_element_type3A, %cond3A : i32
    scf.if %cond3A_1 {
      %mul3A = arith.constant 2048 : i32
      %mul3A_8 = arith.muli %arg1, %mul3A : i32
      "tpu.region"() ({
        %run_scoped3A = tpu.sem_alloc : memref<!tpu.dma_semaphore, #tpu.memory_space<semaphore_mem>>
        %dma_start3A = tpu.memref_slice %arg6[%mul3A_8] : memref<10240xf32, #tpu.memory_space<vmem_shared>> -> memref<2048xf32, #tpu.memory_space<vmem_shared>>
        tpu.enqueue_dma source(%arg3 : memref<2048xf32, #tpu.memory_space<hbm>>) target(%dma_start3A : memref<2048xf32, #tpu.memory_space<vmem_shared>>) target_semaphore(%run_scoped3A : memref<!tpu.dma_semaphore, #tpu.memory_space<semaphore_mem>>)
        %dma_wait3A = tpu.memref_slice %arg6[%mul3A_8] : memref<10240xf32, #tpu.memory_space<vmem_shared>> -> memref<2048xf32, #tpu.memory_space<vmem_shared>>
        tpu.wait_dma2 semaphore(%run_scoped3A : memref<!tpu.dma_semaphore, #tpu.memory_space<semaphore_mem>>) src(%arg3 : memref<2048xf32, #tpu.memory_space<hbm>>) dst(%dma_wait3A : memref<2048xf32, #tpu.memory_space<vmem_shared>>)
        tpu.yield
      }) : () -> ()
    } else {
    }
    %barrier3A = arith.constant 0 : index
    tpu.barrier barrier_id(%barrier3A)
    "tpu.region"() ({
      %run_scoped3A = tpu.sem_alloc : memref<!tpu.dma_semaphore, #tpu.memory_space<semaphore_mem>>
      %dma_start3A = arith.constant 0 : i32
      %dma_start3A_8 = tpu.memref_slice %arg6[%dma_start3A] : memref<10240xf32, #tpu.memory_space<vmem_shared>> -> memref<10240xf32, #tpu.memory_space<vmem_shared>>
      tpu.enqueue_indirect_dma source(%arg8 : memref<10240xf32, #tpu.memory_space<vmem>>) target(%dma_start3A_8 : memref<10240xf32, #tpu.memory_space<vmem_shared>>) offsets(%arg7 : memref<10240xi32, #tpu.memory_space<vmem>>) semaphore(%run_scoped3A : memref<!tpu.dma_semaphore, #tpu.memory_space<semaphore_mem>>) {add = true}
      %dma_wait3A = arith.constant 0 : i32
      %dma_wait3A_9 = tpu.memref_slice %arg6[%dma_wait3A] : memref<10240xf32, #tpu.memory_space<vmem_shared>> -> memref<10240xf32, #tpu.memory_space<vmem_shared>>
      tpu.wait_indirect_dma semaphore(%run_scoped3A : memref<!tpu.dma_semaphore, #tpu.memory_space<semaphore_mem>>) src(%arg8 : memref<10240xf32, #tpu.memory_space<vmem>>) dst(%dma_wait3A_9 : memref<10240xf32, #tpu.memory_space<vmem_shared>>)
      tpu.yield
    }) : () -> ()
    %barrier3A_2 = arith.constant 0 : index
    tpu.barrier barrier_id(%barrier3A_2)
    %lt3A_3 = arith.constant 5 : i32
    %lt3A_4 = arith.cmpi slt, %arg1, %lt3A_3 : i32
    %convert_element_type3A_5 = arith.extui %lt3A_4 : i1 to i32
    %cond3A_6 = arith.constant 0 : i32
    %cond3A_7 = arith.cmpi ne, %convert_element_type3A_5, %cond3A_6 : i32
    scf.if %cond3A_7 {
      %mul3A = arith.constant 2048 : i32
      %mul3A_8 = arith.muli %arg1, %mul3A : i32
      %mul3A_9 = arith.constant 10240 : i32
      %mul3A_10 = arith.muli %arg0, %mul3A_9 : i32
      %mul3A_11 = arith.constant 2048 : i32
      %mul3A_12 = arith.muli %arg1, %mul3A_11 : i32
      %add3A = arith.addi %mul3A_10, %mul3A_12 : i32
      "tpu.region"() ({
        %run_scoped3A = tpu.sem_alloc : memref<!tpu.dma_semaphore, #tpu.memory_space<semaphore_mem>>
        %dma_start3A = tpu.memref_slice %arg5[%add3A] : memref<20480xf32, #tpu.memory_space<hbm>> -> memref<2048xf32, #tpu.memory_space<hbm>>
        %dma_start3A_13 = tpu.memref_slice %arg6[%mul3A_8] : memref<10240xf32, #tpu.memory_space<vmem_shared>> -> memref<2048xf32, #tpu.memory_space<vmem_shared>>
        tpu.enqueue_dma source(%dma_start3A_13 : memref<2048xf32, #tpu.memory_space<vmem_shared>>) target(%dma_start3A : memref<2048xf32, #tpu.memory_space<hbm>>) target_semaphore(%run_scoped3A : memref<!tpu.dma_semaphore, #tpu.memory_space<semaphore_mem>>)
        %dma_wait3A = tpu.memref_slice %arg5[%add3A] : memref<20480xf32, #tpu.memory_space<hbm>> -> memref<2048xf32, #tpu.memory_space<hbm>>
        %dma_wait3A_14 = tpu.memref_slice %arg6[%mul3A_8] : memref<10240xf32, #tpu.memory_space<vmem_shared>> -> memref<2048xf32, #tpu.memory_space<vmem_shared>>
        tpu.wait_dma2 semaphore(%run_scoped3A : memref<!tpu.dma_semaphore, #tpu.memory_space<semaphore_mem>>) src(%dma_wait3A_14 : memref<2048xf32, #tpu.memory_space<vmem_shared>>) dst(%dma_wait3A : memref<2048xf32, #tpu.memory_space<hbm>>)
        tpu.yield
      }) : () -> ()
    } else {
    }
    return
  }
}

#map = affine_map<(d0, d1) -> (0, 0)>
#map1 = affine_map<(d0, d1) -> (0, 0, 0, 0)>
#map2 = affine_map<(d0, d1) -> (0, 0, 0)>
module attributes {stable_mosaic.version = 14 : i64} {
  func.func @_pass_kernel(%arg0: i32, %arg1: i32, %arg2: memref<10008x128xf32, #tpu.memory_space<hbm>>, %arg3: memref<2x2x16x10240xi32, #tpu.memory_space<hbm>>, %arg4: memref<200x128xf32, #tpu.memory_space<hbm>>, %arg5: memref<2x10008x128xf32, #tpu.memory_space<hbm>>, %arg6: memref<10008x128xf32, #tpu.memory_space<vmem_shared>>, %arg7: memref<10240xi32, #tpu.memory_space<vmem>>, %arg8: memref<5120xi32, #tpu.memory_space<vmem>>, %arg9: memref<256x128xf32, #tpu.memory_space<vmem>>, %arg10: memref<!tpu.dma_semaphore, #tpu.memory_space<semaphore_mem>>) attributes {dimension_semantics = [#tpu.dimension_semantics<core_parallel>, #tpu.dimension_semantics<subcore_parallel>], iteration_bounds = array<i64: 2, 16>, scalar_prefetch = 0 : i64, scratch_operands = 5 : i64, tpu.core_type = #tpu.core_type<sc_vector_subcore>, window_params = [{transform_indices = #map}, {transform_indices = #map1}, {transform_indices = #map}, {transform_indices = #map2}]} {
    %run_scoped3A = arith.constant 0 : i32
    "tpu.region"() ({
      %run_scoped3A_27 = tpu.sem_alloc : memref<!tpu.dma_semaphore, #tpu.memory_space<semaphore_mem>>
      %dma_start3A = arith.constant 0 : i32
      %dma_start3A_28 = tpu.memref_slice %arg3[%run_scoped3A, %arg0, %arg1, %dma_start3A] : memref<2x2x16x10240xi32, #tpu.memory_space<hbm>> -> memref<1x1x1x10240xi32, #tpu.memory_space<hbm>>
      %dma_start3A_29 = tpu.memref_squeeze %dma_start3A_28 : memref<1x1x1x10240xi32, #tpu.memory_space<hbm>> -> memref<10240xi32, #tpu.memory_space<hbm>>
      %dma_start3A_30 = arith.constant 0 : i32
      %dma_start3A_31 = tpu.memref_slice %arg3[%run_scoped3A, %arg0, %arg1, %dma_start3A_30] : memref<2x2x16x10240xi32, #tpu.memory_space<hbm>> -> memref<1x1x1x10240xi32, #tpu.memory_space<hbm>>
      %dma_start3A_32 = tpu.memref_squeeze %dma_start3A_31 : memref<1x1x1x10240xi32, #tpu.memory_space<hbm>> -> memref<10240xi32, #tpu.memory_space<hbm>>
      tpu.enqueue_dma source(%dma_start3A_32 : memref<10240xi32, #tpu.memory_space<hbm>>) target(%arg7 : memref<10240xi32, #tpu.memory_space<vmem>>) target_semaphore(%run_scoped3A_27 : memref<!tpu.dma_semaphore, #tpu.memory_space<semaphore_mem>>)
      %dma_wait3A = arith.constant 0 : i32
      %dma_wait3A_33 = tpu.memref_slice %arg3[%run_scoped3A, %arg0, %arg1, %dma_wait3A] : memref<2x2x16x10240xi32, #tpu.memory_space<hbm>> -> memref<1x1x1x10240xi32, #tpu.memory_space<hbm>>
      %dma_wait3A_34 = tpu.memref_squeeze %dma_wait3A_33 : memref<1x1x1x10240xi32, #tpu.memory_space<hbm>> -> memref<10240xi32, #tpu.memory_space<hbm>>
      %dma_wait3A_35 = arith.constant 0 : i32
      %dma_wait3A_36 = tpu.memref_slice %arg3[%run_scoped3A, %arg0, %arg1, %dma_wait3A_35] : memref<2x2x16x10240xi32, #tpu.memory_space<hbm>> -> memref<1x1x1x10240xi32, #tpu.memory_space<hbm>>
      %dma_wait3A_37 = tpu.memref_squeeze %dma_wait3A_36 : memref<1x1x1x10240xi32, #tpu.memory_space<hbm>> -> memref<10240xi32, #tpu.memory_space<hbm>>
      tpu.wait_dma2 semaphore(%run_scoped3A_27 : memref<!tpu.dma_semaphore, #tpu.memory_space<semaphore_mem>>) src(%dma_wait3A_37 : memref<10240xi32, #tpu.memory_space<hbm>>) dst(%arg7 : memref<10240xi32, #tpu.memory_space<vmem>>)
      tpu.yield
    }) : () -> ()
    %run_scoped3A_0 = arith.constant 1 : i32
    "tpu.region"() ({
      %run_scoped3A_27 = tpu.sem_alloc : memref<!tpu.dma_semaphore, #tpu.memory_space<semaphore_mem>>
      %dma_start3A = arith.constant 0 : i32
      %dma_start3A_28 = tpu.memref_slice %arg3[%run_scoped3A_0, %arg0, %arg1, %dma_start3A] : memref<2x2x16x10240xi32, #tpu.memory_space<hbm>> -> memref<1x1x1x5120xi32, #tpu.memory_space<hbm>>
      %dma_start3A_29 = tpu.memref_squeeze %dma_start3A_28 : memref<1x1x1x5120xi32, #tpu.memory_space<hbm>> -> memref<5120xi32, #tpu.memory_space<hbm>>
      %dma_start3A_30 = arith.constant 0 : i32
      %dma_start3A_31 = tpu.memref_slice %arg3[%run_scoped3A_0, %arg0, %arg1, %dma_start3A_30] : memref<2x2x16x10240xi32, #tpu.memory_space<hbm>> -> memref<1x1x1x5120xi32, #tpu.memory_space<hbm>>
      %dma_start3A_32 = tpu.memref_squeeze %dma_start3A_31 : memref<1x1x1x5120xi32, #tpu.memory_space<hbm>> -> memref<5120xi32, #tpu.memory_space<hbm>>
      tpu.enqueue_dma source(%dma_start3A_32 : memref<5120xi32, #tpu.memory_space<hbm>>) target(%arg8 : memref<5120xi32, #tpu.memory_space<vmem>>) target_semaphore(%run_scoped3A_27 : memref<!tpu.dma_semaphore, #tpu.memory_space<semaphore_mem>>)
      %dma_wait3A = arith.constant 0 : i32
      %dma_wait3A_33 = tpu.memref_slice %arg3[%run_scoped3A_0, %arg0, %arg1, %dma_wait3A] : memref<2x2x16x10240xi32, #tpu.memory_space<hbm>> -> memref<1x1x1x5120xi32, #tpu.memory_space<hbm>>
      %dma_wait3A_34 = tpu.memref_squeeze %dma_wait3A_33 : memref<1x1x1x5120xi32, #tpu.memory_space<hbm>> -> memref<5120xi32, #tpu.memory_space<hbm>>
      %dma_wait3A_35 = arith.constant 0 : i32
      %dma_wait3A_36 = tpu.memref_slice %arg3[%run_scoped3A_0, %arg0, %arg1, %dma_wait3A_35] : memref<2x2x16x10240xi32, #tpu.memory_space<hbm>> -> memref<1x1x1x5120xi32, #tpu.memory_space<hbm>>
      %dma_wait3A_37 = tpu.memref_squeeze %dma_wait3A_36 : memref<1x1x1x5120xi32, #tpu.memory_space<hbm>> -> memref<5120xi32, #tpu.memory_space<hbm>>
      tpu.wait_dma2 semaphore(%run_scoped3A_27 : memref<!tpu.dma_semaphore, #tpu.memory_space<semaphore_mem>>) src(%dma_wait3A_37 : memref<5120xi32, #tpu.memory_space<hbm>>) dst(%arg8 : memref<5120xi32, #tpu.memory_space<vmem>>)
      tpu.yield
    }) : () -> ()
    %lt3A = arith.constant 10 : i32
    %lt3A_1 = arith.cmpi slt, %arg1, %lt3A : i32
    %convert_element_type3A = arith.extui %lt3A_1 : i1 to i32
    %cond3A = arith.constant 0 : i32
    %cond3A_2 = arith.cmpi ne, %convert_element_type3A, %cond3A : i32
    scf.if %cond3A_2 {
      %mul3A = arith.constant 1000 : i32
      %mul3A_27 = arith.muli %arg1, %mul3A : i32
      %add3A = arith.constant 0 : i32
      %add3A_28 = arith.addi %mul3A_27, %add3A : i32
      %eq3A_29 = arith.constant 0 : i32
      %eq3A_30 = arith.cmpi eq, %arg0, %eq3A_29 : i32
      %convert_element_type3A_31 = arith.extui %eq3A_30 : i1 to i32
      %cond3A_32 = arith.constant 0 : i32
      %cond3A_33 = arith.cmpi ne, %convert_element_type3A_31, %cond3A_32 : i32
      scf.if %cond3A_33 {
        "tpu.region"() ({
          %run_scoped3A_95 = tpu.sem_alloc : memref<!tpu.dma_semaphore, #tpu.memory_space<semaphore_mem>>
          %dma_start3A = arith.constant 0 : i32
          %dma_start3A_96 = tpu.memref_slice %arg6[%add3A_28, %dma_start3A] : memref<10008x128xf32, #tpu.memory_space<vmem_shared>> -> memref<200x128xf32, #tpu.memory_space<vmem_shared>>
          %dma_start3A_97 = arith.constant 0 : i32
          %dma_start3A_98 = tpu.memref_slice %arg2[%add3A_28, %dma_start3A_97] : memref<10008x128xf32, #tpu.memory_space<hbm>> -> memref<200x128xf32, #tpu.memory_space<hbm>>
          tpu.enqueue_dma source(%dma_start3A_98 : memref<200x128xf32, #tpu.memory_space<hbm>>) target(%dma_start3A_96 : memref<200x128xf32, #tpu.memory_space<vmem_shared>>) target_semaphore(%run_scoped3A_95 : memref<!tpu.dma_semaphore, #tpu.memory_space<semaphore_mem>>)
          %dma_wait3A = arith.constant 0 : i32
          %dma_wait3A_99 = tpu.memref_slice %arg6[%add3A_28, %dma_wait3A] : memref<10008x128xf32, #tpu.memory_space<vmem_shared>> -> memref<200x128xf32, #tpu.memory_space<vmem_shared>>
          %dma_wait3A_100 = arith.constant 0 : i32
          %dma_wait3A_101 = tpu.memref_slice %arg2[%add3A_28, %dma_wait3A_100] : memref<10008x128xf32, #tpu.memory_space<hbm>> -> memref<200x128xf32, #tpu.memory_space<hbm>>
          tpu.wait_dma2 semaphore(%run_scoped3A_95 : memref<!tpu.dma_semaphore, #tpu.memory_space<semaphore_mem>>) src(%dma_wait3A_101 : memref<200x128xf32, #tpu.memory_space<hbm>>) dst(%dma_wait3A_99 : memref<200x128xf32, #tpu.memory_space<vmem_shared>>)
          tpu.yield
        }) : () -> ()
      } else {
      }
      %eq3A_34 = arith.constant 1 : i32
      %eq3A_35 = arith.cmpi eq, %arg0, %eq3A_34 : i32
      %convert_element_type3A_36 = arith.extui %eq3A_35 : i1 to i32
      %cond3A_37 = arith.constant 0 : i32
      %cond3A_38 = arith.cmpi ne, %convert_element_type3A_36, %cond3A_37 : i32
      scf.if %cond3A_38 {
        "tpu.region"() ({
          %run_scoped3A_95 = tpu.sem_alloc : memref<!tpu.dma_semaphore, #tpu.memory_space<semaphore_mem>>
          %dma_start3A = arith.constant 0 : i32
          %dma_start3A_96 = tpu.memref_slice %arg6[%add3A_28, %dma_start3A] : memref<10008x128xf32, #tpu.memory_space<vmem_shared>> -> memref<200x128xf32, #tpu.memory_space<vmem_shared>>
          tpu.enqueue_dma source(%arg4 : memref<200x128xf32, #tpu.memory_space<hbm>>) target(%dma_start3A_96 : memref<200x128xf32, #tpu.memory_space<vmem_shared>>) target_semaphore(%run_scoped3A_95 : memref<!tpu.dma_semaphore, #tpu.memory_space<semaphore_mem>>)
          %dma_wait3A = arith.constant 0 : i32
          %dma_wait3A_97 = tpu.memref_slice %arg6[%add3A_28, %dma_wait3A] : memref<10008x128xf32, #tpu.memory_space<vmem_shared>> -> memref<200x128xf32, #tpu.memory_space<vmem_shared>>
          tpu.wait_dma2 semaphore(%run_scoped3A_95 : memref<!tpu.dma_semaphore, #tpu.memory_space<semaphore_mem>>) src(%arg4 : memref<200x128xf32, #tpu.memory_space<hbm>>) dst(%dma_wait3A_97 : memref<200x128xf32, #tpu.memory_space<vmem_shared>>)
          tpu.yield
        }) : () -> ()
      } else {
      }
      %mul3A_39 = arith.constant 1000 : i32
      %mul3A_40 = arith.muli %arg1, %mul3A_39 : i32
      %add3A_41 = arith.constant 200 : i32
      %add3A_42 = arith.addi %mul3A_40, %add3A_41 : i32
      %eq3A_43 = arith.constant 0 : i32
      %eq3A_44 = arith.cmpi eq, %arg0, %eq3A_43 : i32
      %convert_element_type3A_45 = arith.extui %eq3A_44 : i1 to i32
      %cond3A_46 = arith.constant 0 : i32
      %cond3A_47 = arith.cmpi ne, %convert_element_type3A_45, %cond3A_46 : i32
      scf.if %cond3A_47 {
        "tpu.region"() ({
          %run_scoped3A_95 = tpu.sem_alloc : memref<!tpu.dma_semaphore, #tpu.memory_space<semaphore_mem>>
          %dma_start3A = arith.constant 0 : i32
          %dma_start3A_96 = tpu.memref_slice %arg6[%add3A_42, %dma_start3A] : memref<10008x128xf32, #tpu.memory_space<vmem_shared>> -> memref<200x128xf32, #tpu.memory_space<vmem_shared>>
          %dma_start3A_97 = arith.constant 0 : i32
          %dma_start3A_98 = tpu.memref_slice %arg2[%add3A_42, %dma_start3A_97] : memref<10008x128xf32, #tpu.memory_space<hbm>> -> memref<200x128xf32, #tpu.memory_space<hbm>>
          tpu.enqueue_dma source(%dma_start3A_98 : memref<200x128xf32, #tpu.memory_space<hbm>>) target(%dma_start3A_96 : memref<200x128xf32, #tpu.memory_space<vmem_shared>>) target_semaphore(%run_scoped3A_95 : memref<!tpu.dma_semaphore, #tpu.memory_space<semaphore_mem>>)
          %dma_wait3A = arith.constant 0 : i32
          %dma_wait3A_99 = tpu.memref_slice %arg6[%add3A_42, %dma_wait3A] : memref<10008x128xf32, #tpu.memory_space<vmem_shared>> -> memref<200x128xf32, #tpu.memory_space<vmem_shared>>
          %dma_wait3A_100 = arith.constant 0 : i32
          %dma_wait3A_101 = tpu.memref_slice %arg2[%add3A_42, %dma_wait3A_100] : memref<10008x128xf32, #tpu.memory_space<hbm>> -> memref<200x128xf32, #tpu.memory_space<hbm>>
          tpu.wait_dma2 semaphore(%run_scoped3A_95 : memref<!tpu.dma_semaphore, #tpu.memory_space<semaphore_mem>>) src(%dma_wait3A_101 : memref<200x128xf32, #tpu.memory_space<hbm>>) dst(%dma_wait3A_99 : memref<200x128xf32, #tpu.memory_space<vmem_shared>>)
          tpu.yield
        }) : () -> ()
      } else {
      }
      %eq3A_48 = arith.constant 1 : i32
      %eq3A_49 = arith.cmpi eq, %arg0, %eq3A_48 : i32
      %convert_element_type3A_50 = arith.extui %eq3A_49 : i1 to i32
      %cond3A_51 = arith.constant 0 : i32
      %cond3A_52 = arith.cmpi ne, %convert_element_type3A_50, %cond3A_51 : i32
      scf.if %cond3A_52 {
        "tpu.region"() ({
          %run_scoped3A_95 = tpu.sem_alloc : memref<!tpu.dma_semaphore, #tpu.memory_space<semaphore_mem>>
          %dma_start3A = arith.constant 0 : i32
          %dma_start3A_96 = tpu.memref_slice %arg6[%add3A_42, %dma_start3A] : memref<10008x128xf32, #tpu.memory_space<vmem_shared>> -> memref<200x128xf32, #tpu.memory_space<vmem_shared>>
          tpu.enqueue_dma source(%arg4 : memref<200x128xf32, #tpu.memory_space<hbm>>) target(%dma_start3A_96 : memref<200x128xf32, #tpu.memory_space<vmem_shared>>) target_semaphore(%run_scoped3A_95 : memref<!tpu.dma_semaphore, #tpu.memory_space<semaphore_mem>>)
          %dma_wait3A = arith.constant 0 : i32
          %dma_wait3A_97 = tpu.memref_slice %arg6[%add3A_42, %dma_wait3A] : memref<10008x128xf32, #tpu.memory_space<vmem_shared>> -> memref<200x128xf32, #tpu.memory_space<vmem_shared>>
          tpu.wait_dma2 semaphore(%run_scoped3A_95 : memref<!tpu.dma_semaphore, #tpu.memory_space<semaphore_mem>>) src(%arg4 : memref<200x128xf32, #tpu.memory_space<hbm>>) dst(%dma_wait3A_97 : memref<200x128xf32, #tpu.memory_space<vmem_shared>>)
          tpu.yield
        }) : () -> ()
      } else {
      }
      %mul3A_53 = arith.constant 1000 : i32
      %mul3A_54 = arith.muli %arg1, %mul3A_53 : i32
      %add3A_55 = arith.constant 400 : i32
      %add3A_56 = arith.addi %mul3A_54, %add3A_55 : i32
      %eq3A_57 = arith.constant 0 : i32
      %eq3A_58 = arith.cmpi eq, %arg0, %eq3A_57 : i32
      %convert_element_type3A_59 = arith.extui %eq3A_58 : i1 to i32
      %cond3A_60 = arith.constant 0 : i32
      %cond3A_61 = arith.cmpi ne, %convert_element_type3A_59, %cond3A_60 : i32
      scf.if %cond3A_61 {
        "tpu.region"() ({
          %run_scoped3A_95 = tpu.sem_alloc : memref<!tpu.dma_semaphore, #tpu.memory_space<semaphore_mem>>
          %dma_start3A = arith.constant 0 : i32
          %dma_start3A_96 = tpu.memref_slice %arg6[%add3A_56, %dma_start3A] : memref<10008x128xf32, #tpu.memory_space<vmem_shared>> -> memref<200x128xf32, #tpu.memory_space<vmem_shared>>
          %dma_start3A_97 = arith.constant 0 : i32
          %dma_start3A_98 = tpu.memref_slice %arg2[%add3A_56, %dma_start3A_97] : memref<10008x128xf32, #tpu.memory_space<hbm>> -> memref<200x128xf32, #tpu.memory_space<hbm>>
          tpu.enqueue_dma source(%dma_start3A_98 : memref<200x128xf32, #tpu.memory_space<hbm>>) target(%dma_start3A_96 : memref<200x128xf32, #tpu.memory_space<vmem_shared>>) target_semaphore(%run_scoped3A_95 : memref<!tpu.dma_semaphore, #tpu.memory_space<semaphore_mem>>)
          %dma_wait3A = arith.constant 0 : i32
          %dma_wait3A_99 = tpu.memref_slice %arg6[%add3A_56, %dma_wait3A] : memref<10008x128xf32, #tpu.memory_space<vmem_shared>> -> memref<200x128xf32, #tpu.memory_space<vmem_shared>>
          %dma_wait3A_100 = arith.constant 0 : i32
          %dma_wait3A_101 = tpu.memref_slice %arg2[%add3A_56, %dma_wait3A_100] : memref<10008x128xf32, #tpu.memory_space<hbm>> -> memref<200x128xf32, #tpu.memory_space<hbm>>
          tpu.wait_dma2 semaphore(%run_scoped3A_95 : memref<!tpu.dma_semaphore, #tpu.memory_space<semaphore_mem>>) src(%dma_wait3A_101 : memref<200x128xf32, #tpu.memory_space<hbm>>) dst(%dma_wait3A_99 : memref<200x128xf32, #tpu.memory_space<vmem_shared>>)
          tpu.yield
        }) : () -> ()
      } else {
      }
      %eq3A_62 = arith.constant 1 : i32
      %eq3A_63 = arith.cmpi eq, %arg0, %eq3A_62 : i32
      %convert_element_type3A_64 = arith.extui %eq3A_63 : i1 to i32
      %cond3A_65 = arith.constant 0 : i32
      %cond3A_66 = arith.cmpi ne, %convert_element_type3A_64, %cond3A_65 : i32
      scf.if %cond3A_66 {
        "tpu.region"() ({
          %run_scoped3A_95 = tpu.sem_alloc : memref<!tpu.dma_semaphore, #tpu.memory_space<semaphore_mem>>
          %dma_start3A = arith.constant 0 : i32
          %dma_start3A_96 = tpu.memref_slice %arg6[%add3A_56, %dma_start3A] : memref<10008x128xf32, #tpu.memory_space<vmem_shared>> -> memref<200x128xf32, #tpu.memory_space<vmem_shared>>
          tpu.enqueue_dma source(%arg4 : memref<200x128xf32, #tpu.memory_space<hbm>>) target(%dma_start3A_96 : memref<200x128xf32, #tpu.memory_space<vmem_shared>>) target_semaphore(%run_scoped3A_95 : memref<!tpu.dma_semaphore, #tpu.memory_space<semaphore_mem>>)
          %dma_wait3A = arith.constant 0 : i32
          %dma_wait3A_97 = tpu.memref_slice %arg6[%add3A_56, %dma_wait3A] : memref<10008x128xf32, #tpu.memory_space<vmem_shared>> -> memref<200x128xf32, #tpu.memory_space<vmem_shared>>
          tpu.wait_dma2 semaphore(%run_scoped3A_95 : memref<!tpu.dma_semaphore, #tpu.memory_space<semaphore_mem>>) src(%arg4 : memref<200x128xf32, #tpu.memory_space<hbm>>) dst(%dma_wait3A_97 : memref<200x128xf32, #tpu.memory_space<vmem_shared>>)
          tpu.yield
        }) : () -> ()
      } else {
      }
      %mul3A_67 = arith.constant 1000 : i32
      %mul3A_68 = arith.muli %arg1, %mul3A_67 : i32
      %add3A_69 = arith.constant 600 : i32
      %add3A_70 = arith.addi %mul3A_68, %add3A_69 : i32
      %eq3A_71 = arith.constant 0 : i32
      %eq3A_72 = arith.cmpi eq, %arg0, %eq3A_71 : i32
      %convert_element_type3A_73 = arith.extui %eq3A_72 : i1 to i32
      %cond3A_74 = arith.constant 0 : i32
      %cond3A_75 = arith.cmpi ne, %convert_element_type3A_73, %cond3A_74 : i32
      scf.if %cond3A_75 {
        "tpu.region"() ({
          %run_scoped3A_95 = tpu.sem_alloc : memref<!tpu.dma_semaphore, #tpu.memory_space<semaphore_mem>>
          %dma_start3A = arith.constant 0 : i32
          %dma_start3A_96 = tpu.memref_slice %arg6[%add3A_70, %dma_start3A] : memref<10008x128xf32, #tpu.memory_space<vmem_shared>> -> memref<200x128xf32, #tpu.memory_space<vmem_shared>>
          %dma_start3A_97 = arith.constant 0 : i32
          %dma_start3A_98 = tpu.memref_slice %arg2[%add3A_70, %dma_start3A_97] : memref<10008x128xf32, #tpu.memory_space<hbm>> -> memref<200x128xf32, #tpu.memory_space<hbm>>
          tpu.enqueue_dma source(%dma_start3A_98 : memref<200x128xf32, #tpu.memory_space<hbm>>) target(%dma_start3A_96 : memref<200x128xf32, #tpu.memory_space<vmem_shared>>) target_semaphore(%run_scoped3A_95 : memref<!tpu.dma_semaphore, #tpu.memory_space<semaphore_mem>>)
          %dma_wait3A = arith.constant 0 : i32
          %dma_wait3A_99 = tpu.memref_slice %arg6[%add3A_70, %dma_wait3A] : memref<10008x128xf32, #tpu.memory_space<vmem_shared>> -> memref<200x128xf32, #tpu.memory_space<vmem_shared>>
          %dma_wait3A_100 = arith.constant 0 : i32
          %dma_wait3A_101 = tpu.memref_slice %arg2[%add3A_70, %dma_wait3A_100] : memref<10008x128xf32, #tpu.memory_space<hbm>> -> memref<200x128xf32, #tpu.memory_space<hbm>>
          tpu.wait_dma2 semaphore(%run_scoped3A_95 : memref<!tpu.dma_semaphore, #tpu.memory_space<semaphore_mem>>) src(%dma_wait3A_101 : memref<200x128xf32, #tpu.memory_space<hbm>>) dst(%dma_wait3A_99 : memref<200x128xf32, #tpu.memory_space<vmem_shared>>)
          tpu.yield
        }) : () -> ()
      } else {
      }
      %eq3A_76 = arith.constant 1 : i32
      %eq3A_77 = arith.cmpi eq, %arg0, %eq3A_76 : i32
      %convert_element_type3A_78 = arith.extui %eq3A_77 : i1 to i32
      %cond3A_79 = arith.constant 0 : i32
      %cond3A_80 = arith.cmpi ne, %convert_element_type3A_78, %cond3A_79 : i32
      scf.if %cond3A_80 {
        "tpu.region"() ({
          %run_scoped3A_95 = tpu.sem_alloc : memref<!tpu.dma_semaphore, #tpu.memory_space<semaphore_mem>>
          %dma_start3A = arith.constant 0 : i32
          %dma_start3A_96 = tpu.memref_slice %arg6[%add3A_70, %dma_start3A] : memref<10008x128xf32, #tpu.memory_space<vmem_shared>> -> memref<200x128xf32, #tpu.memory_space<vmem_shared>>
          tpu.enqueue_dma source(%arg4 : memref<200x128xf32, #tpu.memory_space<hbm>>) target(%dma_start3A_96 : memref<200x128xf32, #tpu.memory_space<vmem_shared>>) target_semaphore(%run_scoped3A_95 : memref<!tpu.dma_semaphore, #tpu.memory_space<semaphore_mem>>)
          %dma_wait3A = arith.constant 0 : i32
          %dma_wait3A_97 = tpu.memref_slice %arg6[%add3A_70, %dma_wait3A] : memref<10008x128xf32, #tpu.memory_space<vmem_shared>> -> memref<200x128xf32, #tpu.memory_space<vmem_shared>>
          tpu.wait_dma2 semaphore(%run_scoped3A_95 : memref<!tpu.dma_semaphore, #tpu.memory_space<semaphore_mem>>) src(%arg4 : memref<200x128xf32, #tpu.memory_space<hbm>>) dst(%dma_wait3A_97 : memref<200x128xf32, #tpu.memory_space<vmem_shared>>)
          tpu.yield
        }) : () -> ()
      } else {
      }
      %mul3A_81 = arith.constant 1000 : i32
      %mul3A_82 = arith.muli %arg1, %mul3A_81 : i32
      %add3A_83 = arith.constant 800 : i32
      %add3A_84 = arith.addi %mul3A_82, %add3A_83 : i32
      %eq3A_85 = arith.constant 0 : i32
      %eq3A_86 = arith.cmpi eq, %arg0, %eq3A_85 : i32
      %convert_element_type3A_87 = arith.extui %eq3A_86 : i1 to i32
      %cond3A_88 = arith.constant 0 : i32
      %cond3A_89 = arith.cmpi ne, %convert_element_type3A_87, %cond3A_88 : i32
      scf.if %cond3A_89 {
        "tpu.region"() ({
          %run_scoped3A_95 = tpu.sem_alloc : memref<!tpu.dma_semaphore, #tpu.memory_space<semaphore_mem>>
          %dma_start3A = arith.constant 0 : i32
          %dma_start3A_96 = tpu.memref_slice %arg6[%add3A_84, %dma_start3A] : memref<10008x128xf32, #tpu.memory_space<vmem_shared>> -> memref<200x128xf32, #tpu.memory_space<vmem_shared>>
          %dma_start3A_97 = arith.constant 0 : i32
          %dma_start3A_98 = tpu.memref_slice %arg2[%add3A_84, %dma_start3A_97] : memref<10008x128xf32, #tpu.memory_space<hbm>> -> memref<200x128xf32, #tpu.memory_space<hbm>>
          tpu.enqueue_dma source(%dma_start3A_98 : memref<200x128xf32, #tpu.memory_space<hbm>>) target(%dma_start3A_96 : memref<200x128xf32, #tpu.memory_space<vmem_shared>>) target_semaphore(%run_scoped3A_95 : memref<!tpu.dma_semaphore, #tpu.memory_space<semaphore_mem>>)
          %dma_wait3A = arith.constant 0 : i32
          %dma_wait3A_99 = tpu.memref_slice %arg6[%add3A_84, %dma_wait3A] : memref<10008x128xf32, #tpu.memory_space<vmem_shared>> -> memref<200x128xf32, #tpu.memory_space<vmem_shared>>
          %dma_wait3A_100 = arith.constant 0 : i32
          %dma_wait3A_101 = tpu.memref_slice %arg2[%add3A_84, %dma_wait3A_100] : memref<10008x128xf32, #tpu.memory_space<hbm>> -> memref<200x128xf32, #tpu.memory_space<hbm>>
          tpu.wait_dma2 semaphore(%run_scoped3A_95 : memref<!tpu.dma_semaphore, #tpu.memory_space<semaphore_mem>>) src(%dma_wait3A_101 : memref<200x128xf32, #tpu.memory_space<hbm>>) dst(%dma_wait3A_99 : memref<200x128xf32, #tpu.memory_space<vmem_shared>>)
          tpu.yield
        }) : () -> ()
      } else {
      }
      %eq3A_90 = arith.constant 1 : i32
      %eq3A_91 = arith.cmpi eq, %arg0, %eq3A_90 : i32
      %convert_element_type3A_92 = arith.extui %eq3A_91 : i1 to i32
      %cond3A_93 = arith.constant 0 : i32
      %cond3A_94 = arith.cmpi ne, %convert_element_type3A_92, %cond3A_93 : i32
      scf.if %cond3A_94 {
        "tpu.region"() ({
          %run_scoped3A_95 = tpu.sem_alloc : memref<!tpu.dma_semaphore, #tpu.memory_space<semaphore_mem>>
          %dma_start3A = arith.constant 0 : i32
          %dma_start3A_96 = tpu.memref_slice %arg6[%add3A_84, %dma_start3A] : memref<10008x128xf32, #tpu.memory_space<vmem_shared>> -> memref<200x128xf32, #tpu.memory_space<vmem_shared>>
          tpu.enqueue_dma source(%arg4 : memref<200x128xf32, #tpu.memory_space<hbm>>) target(%dma_start3A_96 : memref<200x128xf32, #tpu.memory_space<vmem_shared>>) target_semaphore(%run_scoped3A_95 : memref<!tpu.dma_semaphore, #tpu.memory_space<semaphore_mem>>)
          %dma_wait3A = arith.constant 0 : i32
          %dma_wait3A_97 = tpu.memref_slice %arg6[%add3A_84, %dma_wait3A] : memref<10008x128xf32, #tpu.memory_space<vmem_shared>> -> memref<200x128xf32, #tpu.memory_space<vmem_shared>>
          tpu.wait_dma2 semaphore(%run_scoped3A_95 : memref<!tpu.dma_semaphore, #tpu.memory_space<semaphore_mem>>) src(%arg4 : memref<200x128xf32, #tpu.memory_space<hbm>>) dst(%dma_wait3A_97 : memref<200x128xf32, #tpu.memory_space<vmem_shared>>)
          tpu.yield
        }) : () -> ()
      } else {
      }
    } else {
    }
    %eq3A = arith.constant 10 : i32
    %eq3A_3 = arith.cmpi eq, %arg1, %eq3A : i32
    %convert_element_type3A_4 = arith.extui %eq3A_3 : i1 to i32
    %cond3A_5 = arith.constant 0 : i32
    %cond3A_6 = arith.cmpi ne, %convert_element_type3A_4, %cond3A_5 : i32
    scf.if %cond3A_6 {
      "tpu.region"() ({
        %run_scoped3A_27 = tpu.sem_alloc : memref<!tpu.dma_semaphore, #tpu.memory_space<semaphore_mem>>
        %dma_start3A = arith.constant 10000 : i32
        %dma_start3A_28 = arith.constant 0 : i32
        %dma_start3A_29 = tpu.memref_slice %arg6[%dma_start3A, %dma_start3A_28] : memref<10008x128xf32, #tpu.memory_space<vmem_shared>> -> memref<8x128xf32, #tpu.memory_space<vmem_shared>>
        %dma_start3A_30 = arith.constant 0 : i32
        %dma_start3A_31 = arith.constant 0 : i32
        %dma_start3A_32 = tpu.memref_slice %arg4[%dma_start3A_30, %dma_start3A_31] : memref<200x128xf32, #tpu.memory_space<hbm>> -> memref<8x128xf32, #tpu.memory_space<hbm>>
        tpu.enqueue_dma source(%dma_start3A_32 : memref<8x128xf32, #tpu.memory_space<hbm>>) target(%dma_start3A_29 : memref<8x128xf32, #tpu.memory_space<vmem_shared>>) target_semaphore(%run_scoped3A_27 : memref<!tpu.dma_semaphore, #tpu.memory_space<semaphore_mem>>)
        %dma_wait3A = arith.constant 10000 : i32
        %dma_wait3A_33 = arith.constant 0 : i32
        %dma_wait3A_34 = tpu.memref_slice %arg6[%dma_wait3A, %dma_wait3A_33] : memref<10008x128xf32, #tpu.memory_space<vmem_shared>> -> memref<8x128xf32, #tpu.memory_space<vmem_shared>>
        %dma_wait3A_35 = arith.constant 0 : i32
        %dma_wait3A_36 = arith.constant 0 : i32
        %dma_wait3A_37 = tpu.memref_slice %arg4[%dma_wait3A_35, %dma_wait3A_36] : memref<200x128xf32, #tpu.memory_space<hbm>> -> memref<8x128xf32, #tpu.memory_space<hbm>>
        tpu.wait_dma2 semaphore(%run_scoped3A_27 : memref<!tpu.dma_semaphore, #tpu.memory_space<semaphore_mem>>) src(%dma_wait3A_37 : memref<8x128xf32, #tpu.memory_space<hbm>>) dst(%dma_wait3A_34 : memref<8x128xf32, #tpu.memory_space<vmem_shared>>)
        tpu.yield
      }) : () -> ()
    } else {
    }
    %barrier3A = arith.constant 0 : index
    tpu.barrier barrier_id(%barrier3A)
    %scan3A = arith.constant 0 : i32
    %scan3A_7 = arith.constant 0 : i32
    %scan3A_8 = arith.constant 20 : i32
    %scan3A_9 = arith.addi %scan3A_7, %scan3A_8 : i32
    %scan3A_10 = arith.constant 1 : i32
    %scan3A_11 = scf.for %scan3A_27 = %scan3A_7 to %scan3A_9 step %scan3A_10 iter_args(%scan3A_28 = %scan3A) -> (i32)  : i32 {
      %mul3A = arith.constant 256 : i32
      %mul3A_29 = arith.muli %scan3A_27, %mul3A : i32
      %dma_start3A = tpu.memref_slice %arg7[%mul3A_29] : memref<10240xi32, #tpu.memory_space<vmem>> -> memref<256xi32, #tpu.memory_space<vmem>>
      %dma_start3A_30 = arith.constant 0 : i32
      %dma_start3A_31 = arith.constant 0 : i32
      %dma_start3A_32 = tpu.memref_slice %arg2[%dma_start3A_30, %dma_start3A_31] : memref<10008x128xf32, #tpu.memory_space<hbm>> -> memref<10008x128xf32, #tpu.memory_space<hbm>>
      tpu.enqueue_indirect_dma source(%dma_start3A_32 : memref<10008x128xf32, #tpu.memory_space<hbm>>) target(%arg9 : memref<256x128xf32, #tpu.memory_space<vmem>>) offsets(%dma_start3A : memref<256xi32, #tpu.memory_space<vmem>>) semaphore(%arg10 : memref<!tpu.dma_semaphore, #tpu.memory_space<semaphore_mem>>)
      %mul3A_33 = arith.constant 256 : i32
      %mul3A_34 = arith.muli %scan3A_27, %mul3A_33 : i32
      %dma_wait3A = tpu.memref_slice %arg7[%mul3A_34] : memref<10240xi32, #tpu.memory_space<vmem>> -> memref<256xi32, #tpu.memory_space<vmem>>
      %dma_wait3A_35 = arith.constant 0 : i32
      %dma_wait3A_36 = arith.constant 0 : i32
      %dma_wait3A_37 = tpu.memref_slice %arg2[%dma_wait3A_35, %dma_wait3A_36] : memref<10008x128xf32, #tpu.memory_space<hbm>> -> memref<10008x128xf32, #tpu.memory_space<hbm>>
      tpu.wait_indirect_dma semaphore(%arg10 : memref<!tpu.dma_semaphore, #tpu.memory_space<semaphore_mem>>) src(%dma_wait3A_37 : memref<10008x128xf32, #tpu.memory_space<hbm>>) dst(%arg9 : memref<256x128xf32, #tpu.memory_space<vmem>>)
      %jit3A = arith.constant 20 : i32
      %eq3A_38 = arith.constant 0 : i32
      %eq3A_39 = arith.cmpi eq, %jit3A, %eq3A_38 : i32
      %jit3A_40 = arith.constant 1 : i32
      %select_n3A = arith.select %eq3A_39, %jit3A_40, %jit3A : i32
      %rem3A = arith.remsi %scan3A_27, %select_n3A : i32
      %ne3A = arith.constant 0 : i32
      %ne3A_41 = arith.cmpi ne, %rem3A, %ne3A : i32
      %lt3A_42 = arith.constant 0 : i32
      %lt3A_43 = arith.cmpi slt, %rem3A, %lt3A_42 : i32
      %lt3A_44 = arith.constant 0 : i32
      %lt3A_45 = arith.cmpi slt, %select_n3A, %lt3A_44 : i32
      %ne3A_46 = arith.xori %lt3A_43, %lt3A_45 : i1
      %and3A = arith.andi %ne3A_46, %ne3A_41 : i1
      %add3A = arith.addi %rem3A, %select_n3A : i32
      %select_n3A_47 = arith.select %and3A, %add3A, %rem3A : i32
      %mul3A_48 = arith.constant 256 : i32
      %mul3A_49 = arith.muli %select_n3A_47, %mul3A_48 : i32
      "tpu.region"() ({
        %run_scoped3A_51 = tpu.sem_alloc : memref<!tpu.dma_semaphore, #tpu.memory_space<semaphore_mem>>
        %dma_start3A_52 = tpu.memref_slice %arg8[%mul3A_49] : memref<5120xi32, #tpu.memory_space<vmem>> -> memref<256xi32, #tpu.memory_space<vmem>>
        %dma_start3A_53 = arith.constant 0 : i32
        %dma_start3A_54 = arith.constant 0 : i32
        %dma_start3A_55 = tpu.memref_slice %arg6[%dma_start3A_53, %dma_start3A_54] : memref<10008x128xf32, #tpu.memory_space<vmem_shared>> -> memref<10008x128xf32, #tpu.memory_space<vmem_shared>>
        tpu.enqueue_indirect_dma source(%arg9 : memref<256x128xf32, #tpu.memory_space<vmem>>) target(%dma_start3A_55 : memref<10008x128xf32, #tpu.memory_space<vmem_shared>>) offsets(%dma_start3A_52 : memref<256xi32, #tpu.memory_space<vmem>>) semaphore(%run_scoped3A_51 : memref<!tpu.dma_semaphore, #tpu.memory_space<semaphore_mem>>) {add = true}
        %dma_wait3A_56 = tpu.memref_slice %arg8[%mul3A_49] : memref<5120xi32, #tpu.memory_space<vmem>> -> memref<256xi32, #tpu.memory_space<vmem>>
        %dma_wait3A_57 = arith.constant 0 : i32
        %dma_wait3A_58 = arith.constant 0 : i32
        %dma_wait3A_59 = tpu.memref_slice %arg6[%dma_wait3A_57, %dma_wait3A_58] : memref<10008x128xf32, #tpu.memory_space<vmem_shared>> -> memref<10008x128xf32, #tpu.memory_space<vmem_shared>>
        tpu.wait_indirect_dma semaphore(%run_scoped3A_51 : memref<!tpu.dma_semaphore, #tpu.memory_space<semaphore_mem>>) src(%arg9 : memref<256x128xf32, #tpu.memory_space<vmem>>) dst(%dma_wait3A_59 : memref<10008x128xf32, #tpu.memory_space<vmem_shared>>)
        tpu.yield
      }) : () -> ()
      %scan3A_50 = arith.constant 0 : i32
      scf.yield %scan3A_50 : i32
    }
    %scan3A_12 = arith.constant 20 : i32
    %run_scoped3A_13 = arith.constant 1 : i32
    "tpu.region"() ({
      %run_scoped3A_27 = tpu.sem_alloc : memref<!tpu.dma_semaphore, #tpu.memory_space<semaphore_mem>>
      %dma_start3A = arith.constant 5120 : i32
      %dma_start3A_28 = tpu.memref_slice %arg3[%run_scoped3A_13, %arg0, %arg1, %dma_start3A] : memref<2x2x16x10240xi32, #tpu.memory_space<hbm>> -> memref<1x1x1x5120xi32, #tpu.memory_space<hbm>>
      %dma_start3A_29 = tpu.memref_squeeze %dma_start3A_28 : memref<1x1x1x5120xi32, #tpu.memory_space<hbm>> -> memref<5120xi32, #tpu.memory_space<hbm>>
      %dma_start3A_30 = arith.constant 5120 : i32
      %dma_start3A_31 = tpu.memref_slice %arg3[%run_scoped3A_13, %arg0, %arg1, %dma_start3A_30] : memref<2x2x16x10240xi32, #tpu.memory_space<hbm>> -> memref<1x1x1x5120xi32, #tpu.memory_space<hbm>>
      %dma_start3A_32 = tpu.memref_squeeze %dma_start3A_31 : memref<1x1x1x5120xi32, #tpu.memory_space<hbm>> -> memref<5120xi32, #tpu.memory_space<hbm>>
      tpu.enqueue_dma source(%dma_start3A_32 : memref<5120xi32, #tpu.memory_space<hbm>>) target(%arg8 : memref<5120xi32, #tpu.memory_space<vmem>>) target_semaphore(%run_scoped3A_27 : memref<!tpu.dma_semaphore, #tpu.memory_space<semaphore_mem>>)
      %dma_wait3A = arith.constant 5120 : i32
      %dma_wait3A_33 = tpu.memref_slice %arg3[%run_scoped3A_13, %arg0, %arg1, %dma_wait3A] : memref<2x2x16x10240xi32, #tpu.memory_space<hbm>> -> memref<1x1x1x5120xi32, #tpu.memory_space<hbm>>
      %dma_wait3A_34 = tpu.memref_squeeze %dma_wait3A_33 : memref<1x1x1x5120xi32, #tpu.memory_space<hbm>> -> memref<5120xi32, #tpu.memory_space<hbm>>
      %dma_wait3A_35 = arith.constant 5120 : i32
      %dma_wait3A_36 = tpu.memref_slice %arg3[%run_scoped3A_13, %arg0, %arg1, %dma_wait3A_35] : memref<2x2x16x10240xi32, #tpu.memory_space<hbm>> -> memref<1x1x1x5120xi32, #tpu.memory_space<hbm>>
      %dma_wait3A_37 = tpu.memref_squeeze %dma_wait3A_36 : memref<1x1x1x5120xi32, #tpu.memory_space<hbm>> -> memref<5120xi32, #tpu.memory_space<hbm>>
      tpu.wait_dma2 semaphore(%run_scoped3A_27 : memref<!tpu.dma_semaphore, #tpu.memory_space<semaphore_mem>>) src(%dma_wait3A_37 : memref<5120xi32, #tpu.memory_space<hbm>>) dst(%arg8 : memref<5120xi32, #tpu.memory_space<vmem>>)
      tpu.yield
    }) : () -> ()
    %scan3A_14 = arith.constant 0 : i32
    %scan3A_15 = arith.constant 20 : i32
    %scan3A_16 = arith.constant 20 : i32
    %scan3A_17 = arith.addi %scan3A_15, %scan3A_16 : i32
    %scan3A_18 = arith.constant 1 : i32
    %scan3A_19 = scf.for %scan3A_27 = %scan3A_15 to %scan3A_17 step %scan3A_18 iter_args(%scan3A_28 = %scan3A_14) -> (i32)  : i32 {
      %mul3A = arith.constant 256 : i32
      %mul3A_29 = arith.muli %scan3A_27, %mul3A : i32
      %dma_start3A = tpu.memref_slice %arg7[%mul3A_29] : memref<10240xi32, #tpu.memory_space<vmem>> -> memref<256xi32, #tpu.memory_space<vmem>>
      %dma_start3A_30 = arith.constant 0 : i32
      %dma_start3A_31 = arith.constant 0 : i32
      %dma_start3A_32 = tpu.memref_slice %arg2[%dma_start3A_30, %dma_start3A_31] : memref<10008x128xf32, #tpu.memory_space<hbm>> -> memref<10008x128xf32, #tpu.memory_space<hbm>>
      tpu.enqueue_indirect_dma source(%dma_start3A_32 : memref<10008x128xf32, #tpu.memory_space<hbm>>) target(%arg9 : memref<256x128xf32, #tpu.memory_space<vmem>>) offsets(%dma_start3A : memref<256xi32, #tpu.memory_space<vmem>>) semaphore(%arg10 : memref<!tpu.dma_semaphore, #tpu.memory_space<semaphore_mem>>)
      %mul3A_33 = arith.constant 256 : i32
      %mul3A_34 = arith.muli %scan3A_27, %mul3A_33 : i32
      %dma_wait3A = tpu.memref_slice %arg7[%mul3A_34] : memref<10240xi32, #tpu.memory_space<vmem>> -> memref<256xi32, #tpu.memory_space<vmem>>
      %dma_wait3A_35 = arith.constant 0 : i32
      %dma_wait3A_36 = arith.constant 0 : i32
      %dma_wait3A_37 = tpu.memref_slice %arg2[%dma_wait3A_35, %dma_wait3A_36] : memref<10008x128xf32, #tpu.memory_space<hbm>> -> memref<10008x128xf32, #tpu.memory_space<hbm>>
      tpu.wait_indirect_dma semaphore(%arg10 : memref<!tpu.dma_semaphore, #tpu.memory_space<semaphore_mem>>) src(%dma_wait3A_37 : memref<10008x128xf32, #tpu.memory_space<hbm>>) dst(%arg9 : memref<256x128xf32, #tpu.memory_space<vmem>>)
      %jit3A = arith.constant 20 : i32
      %eq3A_38 = arith.constant 0 : i32
      %eq3A_39 = arith.cmpi eq, %jit3A, %eq3A_38 : i32
      %jit3A_40 = arith.constant 1 : i32
      %select_n3A = arith.select %eq3A_39, %jit3A_40, %jit3A : i32
      %rem3A = arith.remsi %scan3A_27, %select_n3A : i32
      %ne3A = arith.constant 0 : i32
      %ne3A_41 = arith.cmpi ne, %rem3A, %ne3A : i32
      %lt3A_42 = arith.constant 0 : i32
      %lt3A_43 = arith.cmpi slt, %rem3A, %lt3A_42 : i32
      %lt3A_44 = arith.constant 0 : i32
      %lt3A_45 = arith.cmpi slt, %select_n3A, %lt3A_44 : i32
      %ne3A_46 = arith.xori %lt3A_43, %lt3A_45 : i1
      %and3A = arith.andi %ne3A_46, %ne3A_41 : i1
      %add3A = arith.addi %rem3A, %select_n3A : i32
      %select_n3A_47 = arith.select %and3A, %add3A, %rem3A : i32
      %mul3A_48 = arith.constant 256 : i32
      %mul3A_49 = arith.muli %select_n3A_47, %mul3A_48 : i32
      "tpu.region"() ({
        %run_scoped3A_51 = tpu.sem_alloc : memref<!tpu.dma_semaphore, #tpu.memory_space<semaphore_mem>>
        %dma_start3A_52 = tpu.memref_slice %arg8[%mul3A_49] : memref<5120xi32, #tpu.memory_space<vmem>> -> memref<256xi32, #tpu.memory_space<vmem>>
        %dma_start3A_53 = arith.constant 0 : i32
        %dma_start3A_54 = arith.constant 0 : i32
        %dma_start3A_55 = tpu.memref_slice %arg6[%dma_start3A_53, %dma_start3A_54] : memref<10008x128xf32, #tpu.memory_space<vmem_shared>> -> memref<10008x128xf32, #tpu.memory_space<vmem_shared>>
        tpu.enqueue_indirect_dma source(%arg9 : memref<256x128xf32, #tpu.memory_space<vmem>>) target(%dma_start3A_55 : memref<10008x128xf32, #tpu.memory_space<vmem_shared>>) offsets(%dma_start3A_52 : memref<256xi32, #tpu.memory_space<vmem>>) semaphore(%run_scoped3A_51 : memref<!tpu.dma_semaphore, #tpu.memory_space<semaphore_mem>>) {add = true}
        %dma_wait3A_56 = tpu.memref_slice %arg8[%mul3A_49] : memref<5120xi32, #tpu.memory_space<vmem>> -> memref<256xi32, #tpu.memory_space<vmem>>
        %dma_wait3A_57 = arith.constant 0 : i32
        %dma_wait3A_58 = arith.constant 0 : i32
        %dma_wait3A_59 = tpu.memref_slice %arg6[%dma_wait3A_57, %dma_wait3A_58] : memref<10008x128xf32, #tpu.memory_space<vmem_shared>> -> memref<10008x128xf32, #tpu.memory_space<vmem_shared>>
        tpu.wait_indirect_dma semaphore(%run_scoped3A_51 : memref<!tpu.dma_semaphore, #tpu.memory_space<semaphore_mem>>) src(%arg9 : memref<256x128xf32, #tpu.memory_space<vmem>>) dst(%dma_wait3A_59 : memref<10008x128xf32, #tpu.memory_space<vmem_shared>>)
        tpu.yield
      }) : () -> ()
      %scan3A_50 = arith.constant 0 : i32
      scf.yield %scan3A_50 : i32
    }
    %scan3A_20 = arith.constant 20 : i32
    %barrier3A_21 = arith.constant 0 : index
    tpu.barrier barrier_id(%barrier3A_21)
    %lt3A_22 = arith.constant 10 : i32
    %lt3A_23 = arith.cmpi slt, %arg1, %lt3A_22 : i32
    %convert_element_type3A_24 = arith.extui %lt3A_23 : i1 to i32
    %cond3A_25 = arith.constant 0 : i32
    %cond3A_26 = arith.cmpi ne, %convert_element_type3A_24, %cond3A_25 : i32
    scf.if %cond3A_26 {
      %mul3A = arith.constant 1000 : i32
      %mul3A_27 = arith.muli %arg1, %mul3A : i32
      %add3A = arith.constant 0 : i32
      %add3A_28 = arith.addi %mul3A_27, %add3A : i32
      "tpu.region"() ({
        %run_scoped3A_45 = tpu.sem_alloc : memref<!tpu.dma_semaphore, #tpu.memory_space<semaphore_mem>>
        %dma_start3A = arith.constant 0 : i32
        %dma_start3A_46 = arith.constant 0 : i32
        %dma_start3A_47 = tpu.memref_slice %arg5[%arg0, %dma_start3A, %dma_start3A_46] : memref<2x10008x128xf32, #tpu.memory_space<hbm>> -> memref<1x10008x128xf32, #tpu.memory_space<hbm>>
        %dma_start3A_48 = tpu.memref_squeeze %dma_start3A_47 : memref<1x10008x128xf32, #tpu.memory_space<hbm>> -> memref<10008x128xf32, #tpu.memory_space<hbm>>
        %dma_start3A_49 = arith.constant 0 : i32
        %dma_start3A_50 = tpu.memref_slice %dma_start3A_48[%add3A_28, %dma_start3A_49] : memref<10008x128xf32, #tpu.memory_space<hbm>> -> memref<200x128xf32, #tpu.memory_space<hbm>>
        %dma_start3A_51 = arith.constant 0 : i32
        %dma_start3A_52 = tpu.memref_slice %arg6[%add3A_28, %dma_start3A_51] : memref<10008x128xf32, #tpu.memory_space<vmem_shared>> -> memref<200x128xf32, #tpu.memory_space<vmem_shared>>
        tpu.enqueue_dma source(%dma_start3A_52 : memref<200x128xf32, #tpu.memory_space<vmem_shared>>) target(%dma_start3A_50 : memref<200x128xf32, #tpu.memory_space<hbm>>) target_semaphore(%run_scoped3A_45 : memref<!tpu.dma_semaphore, #tpu.memory_space<semaphore_mem>>)
        %dma_wait3A = arith.constant 0 : i32
        %dma_wait3A_53 = arith.constant 0 : i32
        %dma_wait3A_54 = tpu.memref_slice %arg5[%arg0, %dma_wait3A, %dma_wait3A_53] : memref<2x10008x128xf32, #tpu.memory_space<hbm>> -> memref<1x10008x128xf32, #tpu.memory_space<hbm>>
        %dma_wait3A_55 = tpu.memref_squeeze %dma_wait3A_54 : memref<1x10008x128xf32, #tpu.memory_space<hbm>> -> memref<10008x128xf32, #tpu.memory_space<hbm>>
        %dma_wait3A_56 = arith.constant 0 : i32
        %dma_wait3A_57 = tpu.memref_slice %dma_wait3A_55[%add3A_28, %dma_wait3A_56] : memref<10008x128xf32, #tpu.memory_space<hbm>> -> memref<200x128xf32, #tpu.memory_space<hbm>>
        %dma_wait3A_58 = arith.constant 0 : i32
        %dma_wait3A_59 = tpu.memref_slice %arg6[%add3A_28, %dma_wait3A_58] : memref<10008x128xf32, #tpu.memory_space<vmem_shared>> -> memref<200x128xf32, #tpu.memory_space<vmem_shared>>
        tpu.wait_dma2 semaphore(%run_scoped3A_45 : memref<!tpu.dma_semaphore, #tpu.memory_space<semaphore_mem>>) src(%dma_wait3A_59 : memref<200x128xf32, #tpu.memory_space<vmem_shared>>) dst(%dma_wait3A_57 : memref<200x128xf32, #tpu.memory_space<hbm>>)
        tpu.yield
      }) : () -> ()
      %mul3A_29 = arith.constant 1000 : i32
      %mul3A_30 = arith.muli %arg1, %mul3A_29 : i32
      %add3A_31 = arith.constant 200 : i32
      %add3A_32 = arith.addi %mul3A_30, %add3A_31 : i32
      "tpu.region"() ({
        %run_scoped3A_45 = tpu.sem_alloc : memref<!tpu.dma_semaphore, #tpu.memory_space<semaphore_mem>>
        %dma_start3A = arith.constant 0 : i32
        %dma_start3A_46 = arith.constant 0 : i32
        %dma_start3A_47 = tpu.memref_slice %arg5[%arg0, %dma_start3A, %dma_start3A_46] : memref<2x10008x128xf32, #tpu.memory_space<hbm>> -> memref<1x10008x128xf32, #tpu.memory_space<hbm>>
        %dma_start3A_48 = tpu.memref_squeeze %dma_start3A_47 : memref<1x10008x128xf32, #tpu.memory_space<hbm>> -> memref<10008x128xf32, #tpu.memory_space<hbm>>
        %dma_start3A_49 = arith.constant 0 : i32
        %dma_start3A_50 = tpu.memref_slice %dma_start3A_48[%add3A_32, %dma_start3A_49] : memref<10008x128xf32, #tpu.memory_space<hbm>> -> memref<200x128xf32, #tpu.memory_space<hbm>>
        %dma_start3A_51 = arith.constant 0 : i32
        %dma_start3A_52 = tpu.memref_slice %arg6[%add3A_32, %dma_start3A_51] : memref<10008x128xf32, #tpu.memory_space<vmem_shared>> -> memref<200x128xf32, #tpu.memory_space<vmem_shared>>
        tpu.enqueue_dma source(%dma_start3A_52 : memref<200x128xf32, #tpu.memory_space<vmem_shared>>) target(%dma_start3A_50 : memref<200x128xf32, #tpu.memory_space<hbm>>) target_semaphore(%run_scoped3A_45 : memref<!tpu.dma_semaphore, #tpu.memory_space<semaphore_mem>>)
        %dma_wait3A = arith.constant 0 : i32
        %dma_wait3A_53 = arith.constant 0 : i32
        %dma_wait3A_54 = tpu.memref_slice %arg5[%arg0, %dma_wait3A, %dma_wait3A_53] : memref<2x10008x128xf32, #tpu.memory_space<hbm>> -> memref<1x10008x128xf32, #tpu.memory_space<hbm>>
        %dma_wait3A_55 = tpu.memref_squeeze %dma_wait3A_54 : memref<1x10008x128xf32, #tpu.memory_space<hbm>> -> memref<10008x128xf32, #tpu.memory_space<hbm>>
        %dma_wait3A_56 = arith.constant 0 : i32
        %dma_wait3A_57 = tpu.memref_slice %dma_wait3A_55[%add3A_32, %dma_wait3A_56] : memref<10008x128xf32, #tpu.memory_space<hbm>> -> memref<200x128xf32, #tpu.memory_space<hbm>>
        %dma_wait3A_58 = arith.constant 0 : i32
        %dma_wait3A_59 = tpu.memref_slice %arg6[%add3A_32, %dma_wait3A_58] : memref<10008x128xf32, #tpu.memory_space<vmem_shared>> -> memref<200x128xf32, #tpu.memory_space<vmem_shared>>
        tpu.wait_dma2 semaphore(%run_scoped3A_45 : memref<!tpu.dma_semaphore, #tpu.memory_space<semaphore_mem>>) src(%dma_wait3A_59 : memref<200x128xf32, #tpu.memory_space<vmem_shared>>) dst(%dma_wait3A_57 : memref<200x128xf32, #tpu.memory_space<hbm>>)
        tpu.yield
      }) : () -> ()
      %mul3A_33 = arith.constant 1000 : i32
      %mul3A_34 = arith.muli %arg1, %mul3A_33 : i32
      %add3A_35 = arith.constant 400 : i32
      %add3A_36 = arith.addi %mul3A_34, %add3A_35 : i32
      "tpu.region"() ({
        %run_scoped3A_45 = tpu.sem_alloc : memref<!tpu.dma_semaphore, #tpu.memory_space<semaphore_mem>>
        %dma_start3A = arith.constant 0 : i32
        %dma_start3A_46 = arith.constant 0 : i32
        %dma_start3A_47 = tpu.memref_slice %arg5[%arg0, %dma_start3A, %dma_start3A_46] : memref<2x10008x128xf32, #tpu.memory_space<hbm>> -> memref<1x10008x128xf32, #tpu.memory_space<hbm>>
        %dma_start3A_48 = tpu.memref_squeeze %dma_start3A_47 : memref<1x10008x128xf32, #tpu.memory_space<hbm>> -> memref<10008x128xf32, #tpu.memory_space<hbm>>
        %dma_start3A_49 = arith.constant 0 : i32
        %dma_start3A_50 = tpu.memref_slice %dma_start3A_48[%add3A_36, %dma_start3A_49] : memref<10008x128xf32, #tpu.memory_space<hbm>> -> memref<200x128xf32, #tpu.memory_space<hbm>>
        %dma_start3A_51 = arith.constant 0 : i32
        %dma_start3A_52 = tpu.memref_slice %arg6[%add3A_36, %dma_start3A_51] : memref<10008x128xf32, #tpu.memory_space<vmem_shared>> -> memref<200x128xf32, #tpu.memory_space<vmem_shared>>
        tpu.enqueue_dma source(%dma_start3A_52 : memref<200x128xf32, #tpu.memory_space<vmem_shared>>) target(%dma_start3A_50 : memref<200x128xf32, #tpu.memory_space<hbm>>) target_semaphore(%run_scoped3A_45 : memref<!tpu.dma_semaphore, #tpu.memory_space<semaphore_mem>>)
        %dma_wait3A = arith.constant 0 : i32
        %dma_wait3A_53 = arith.constant 0 : i32
        %dma_wait3A_54 = tpu.memref_slice %arg5[%arg0, %dma_wait3A, %dma_wait3A_53] : memref<2x10008x128xf32, #tpu.memory_space<hbm>> -> memref<1x10008x128xf32, #tpu.memory_space<hbm>>
        %dma_wait3A_55 = tpu.memref_squeeze %dma_wait3A_54 : memref<1x10008x128xf32, #tpu.memory_space<hbm>> -> memref<10008x128xf32, #tpu.memory_space<hbm>>
        %dma_wait3A_56 = arith.constant 0 : i32
        %dma_wait3A_57 = tpu.memref_slice %dma_wait3A_55[%add3A_36, %dma_wait3A_56] : memref<10008x128xf32, #tpu.memory_space<hbm>> -> memref<200x128xf32, #tpu.memory_space<hbm>>
        %dma_wait3A_58 = arith.constant 0 : i32
        %dma_wait3A_59 = tpu.memref_slice %arg6[%add3A_36, %dma_wait3A_58] : memref<10008x128xf32, #tpu.memory_space<vmem_shared>> -> memref<200x128xf32, #tpu.memory_space<vmem_shared>>
        tpu.wait_dma2 semaphore(%run_scoped3A_45 : memref<!tpu.dma_semaphore, #tpu.memory_space<semaphore_mem>>) src(%dma_wait3A_59 : memref<200x128xf32, #tpu.memory_space<vmem_shared>>) dst(%dma_wait3A_57 : memref<200x128xf32, #tpu.memory_space<hbm>>)
        tpu.yield
      }) : () -> ()
      %mul3A_37 = arith.constant 1000 : i32
      %mul3A_38 = arith.muli %arg1, %mul3A_37 : i32
      %add3A_39 = arith.constant 600 : i32
      %add3A_40 = arith.addi %mul3A_38, %add3A_39 : i32
      "tpu.region"() ({
        %run_scoped3A_45 = tpu.sem_alloc : memref<!tpu.dma_semaphore, #tpu.memory_space<semaphore_mem>>
        %dma_start3A = arith.constant 0 : i32
        %dma_start3A_46 = arith.constant 0 : i32
        %dma_start3A_47 = tpu.memref_slice %arg5[%arg0, %dma_start3A, %dma_start3A_46] : memref<2x10008x128xf32, #tpu.memory_space<hbm>> -> memref<1x10008x128xf32, #tpu.memory_space<hbm>>
        %dma_start3A_48 = tpu.memref_squeeze %dma_start3A_47 : memref<1x10008x128xf32, #tpu.memory_space<hbm>> -> memref<10008x128xf32, #tpu.memory_space<hbm>>
        %dma_start3A_49 = arith.constant 0 : i32
        %dma_start3A_50 = tpu.memref_slice %dma_start3A_48[%add3A_40, %dma_start3A_49] : memref<10008x128xf32, #tpu.memory_space<hbm>> -> memref<200x128xf32, #tpu.memory_space<hbm>>
        %dma_start3A_51 = arith.constant 0 : i32
        %dma_start3A_52 = tpu.memref_slice %arg6[%add3A_40, %dma_start3A_51] : memref<10008x128xf32, #tpu.memory_space<vmem_shared>> -> memref<200x128xf32, #tpu.memory_space<vmem_shared>>
        tpu.enqueue_dma source(%dma_start3A_52 : memref<200x128xf32, #tpu.memory_space<vmem_shared>>) target(%dma_start3A_50 : memref<200x128xf32, #tpu.memory_space<hbm>>) target_semaphore(%run_scoped3A_45 : memref<!tpu.dma_semaphore, #tpu.memory_space<semaphore_mem>>)
        %dma_wait3A = arith.constant 0 : i32
        %dma_wait3A_53 = arith.constant 0 : i32
        %dma_wait3A_54 = tpu.memref_slice %arg5[%arg0, %dma_wait3A, %dma_wait3A_53] : memref<2x10008x128xf32, #tpu.memory_space<hbm>> -> memref<1x10008x128xf32, #tpu.memory_space<hbm>>
        %dma_wait3A_55 = tpu.memref_squeeze %dma_wait3A_54 : memref<1x10008x128xf32, #tpu.memory_space<hbm>> -> memref<10008x128xf32, #tpu.memory_space<hbm>>
        %dma_wait3A_56 = arith.constant 0 : i32
        %dma_wait3A_57 = tpu.memref_slice %dma_wait3A_55[%add3A_40, %dma_wait3A_56] : memref<10008x128xf32, #tpu.memory_space<hbm>> -> memref<200x128xf32, #tpu.memory_space<hbm>>
        %dma_wait3A_58 = arith.constant 0 : i32
        %dma_wait3A_59 = tpu.memref_slice %arg6[%add3A_40, %dma_wait3A_58] : memref<10008x128xf32, #tpu.memory_space<vmem_shared>> -> memref<200x128xf32, #tpu.memory_space<vmem_shared>>
        tpu.wait_dma2 semaphore(%run_scoped3A_45 : memref<!tpu.dma_semaphore, #tpu.memory_space<semaphore_mem>>) src(%dma_wait3A_59 : memref<200x128xf32, #tpu.memory_space<vmem_shared>>) dst(%dma_wait3A_57 : memref<200x128xf32, #tpu.memory_space<hbm>>)
        tpu.yield
      }) : () -> ()
      %mul3A_41 = arith.constant 1000 : i32
      %mul3A_42 = arith.muli %arg1, %mul3A_41 : i32
      %add3A_43 = arith.constant 800 : i32
      %add3A_44 = arith.addi %mul3A_42, %add3A_43 : i32
      "tpu.region"() ({
        %run_scoped3A_45 = tpu.sem_alloc : memref<!tpu.dma_semaphore, #tpu.memory_space<semaphore_mem>>
        %dma_start3A = arith.constant 0 : i32
        %dma_start3A_46 = arith.constant 0 : i32
        %dma_start3A_47 = tpu.memref_slice %arg5[%arg0, %dma_start3A, %dma_start3A_46] : memref<2x10008x128xf32, #tpu.memory_space<hbm>> -> memref<1x10008x128xf32, #tpu.memory_space<hbm>>
        %dma_start3A_48 = tpu.memref_squeeze %dma_start3A_47 : memref<1x10008x128xf32, #tpu.memory_space<hbm>> -> memref<10008x128xf32, #tpu.memory_space<hbm>>
        %dma_start3A_49 = arith.constant 0 : i32
        %dma_start3A_50 = tpu.memref_slice %dma_start3A_48[%add3A_44, %dma_start3A_49] : memref<10008x128xf32, #tpu.memory_space<hbm>> -> memref<200x128xf32, #tpu.memory_space<hbm>>
        %dma_start3A_51 = arith.constant 0 : i32
        %dma_start3A_52 = tpu.memref_slice %arg6[%add3A_44, %dma_start3A_51] : memref<10008x128xf32, #tpu.memory_space<vmem_shared>> -> memref<200x128xf32, #tpu.memory_space<vmem_shared>>
        tpu.enqueue_dma source(%dma_start3A_52 : memref<200x128xf32, #tpu.memory_space<vmem_shared>>) target(%dma_start3A_50 : memref<200x128xf32, #tpu.memory_space<hbm>>) target_semaphore(%run_scoped3A_45 : memref<!tpu.dma_semaphore, #tpu.memory_space<semaphore_mem>>)
        %dma_wait3A = arith.constant 0 : i32
        %dma_wait3A_53 = arith.constant 0 : i32
        %dma_wait3A_54 = tpu.memref_slice %arg5[%arg0, %dma_wait3A, %dma_wait3A_53] : memref<2x10008x128xf32, #tpu.memory_space<hbm>> -> memref<1x10008x128xf32, #tpu.memory_space<hbm>>
        %dma_wait3A_55 = tpu.memref_squeeze %dma_wait3A_54 : memref<1x10008x128xf32, #tpu.memory_space<hbm>> -> memref<10008x128xf32, #tpu.memory_space<hbm>>
        %dma_wait3A_56 = arith.constant 0 : i32
        %dma_wait3A_57 = tpu.memref_slice %dma_wait3A_55[%add3A_44, %dma_wait3A_56] : memref<10008x128xf32, #tpu.memory_space<hbm>> -> memref<200x128xf32, #tpu.memory_space<hbm>>
        %dma_wait3A_58 = arith.constant 0 : i32
        %dma_wait3A_59 = tpu.memref_slice %arg6[%add3A_44, %dma_wait3A_58] : memref<10008x128xf32, #tpu.memory_space<vmem_shared>> -> memref<200x128xf32, #tpu.memory_space<vmem_shared>>
        tpu.wait_dma2 semaphore(%run_scoped3A_45 : memref<!tpu.dma_semaphore, #tpu.memory_space<semaphore_mem>>) src(%dma_wait3A_59 : memref<200x128xf32, #tpu.memory_space<vmem_shared>>) dst(%dma_wait3A_57 : memref<200x128xf32, #tpu.memory_space<hbm>>)
        tpu.yield
      }) : () -> ()
    } else {
    }
    return
  }
}

#map = affine_map<(d0, d1) -> (0, 0)>
#map1 = affine_map<(d0, d1) -> (0, 0, 0, 0)>
#map2 = affine_map<(d0, d1) -> (0, 0, 0)>
module attributes {stable_mosaic.version = 14 : i64} {
  func.func @_pass_kernel(%arg0: i32, %arg1: i32, %arg2: memref<10008x128xf32, #tpu.memory_space<hbm>>, %arg3: memref<2x2x16x10240xi32, #tpu.memory_space<hbm>>, %arg4: memref<200x128xf32, #tpu.memory_space<hbm>>, %arg5: memref<2x10008x128xf32, #tpu.memory_space<hbm>>, %arg6: memref<10008x128xf32, #tpu.memory_space<vmem_shared>>, %arg7: memref<10240xi32, #tpu.memory_space<vmem>>, %arg8: memref<5120xi32, #tpu.memory_space<vmem>>, %arg9: memref<256x128xf32, #tpu.memory_space<vmem>>, %arg10: memref<!tpu.dma_semaphore, #tpu.memory_space<semaphore_mem>>) attributes {dimension_semantics = [#tpu.dimension_semantics<core_parallel>, #tpu.dimension_semantics<subcore_parallel>], iteration_bounds = array<i64: 2, 16>, scalar_prefetch = 0 : i64, scratch_operands = 5 : i64, tpu.core_type = #tpu.core_type<sc_vector_subcore>, window_params = [{transform_indices = #map}, {transform_indices = #map1}, {transform_indices = #map}, {transform_indices = #map2}]} {
    %run_scoped3A = arith.constant 0 : i32
    "tpu.region"() ({
      %run_scoped3A_27 = tpu.sem_alloc : memref<!tpu.dma_semaphore, #tpu.memory_space<semaphore_mem>>
      %dma_start3A = arith.constant 0 : i32
      %dma_start3A_28 = tpu.memref_slice %arg3[%run_scoped3A, %arg0, %arg1, %dma_start3A] : memref<2x2x16x10240xi32, #tpu.memory_space<hbm>> -> memref<1x1x1x10240xi32, #tpu.memory_space<hbm>>
      %dma_start3A_29 = tpu.memref_squeeze %dma_start3A_28 : memref<1x1x1x10240xi32, #tpu.memory_space<hbm>> -> memref<10240xi32, #tpu.memory_space<hbm>>
      %dma_start3A_30 = arith.constant 0 : i32
      %dma_start3A_31 = tpu.memref_slice %arg3[%run_scoped3A, %arg0, %arg1, %dma_start3A_30] : memref<2x2x16x10240xi32, #tpu.memory_space<hbm>> -> memref<1x1x1x10240xi32, #tpu.memory_space<hbm>>
      %dma_start3A_32 = tpu.memref_squeeze %dma_start3A_31 : memref<1x1x1x10240xi32, #tpu.memory_space<hbm>> -> memref<10240xi32, #tpu.memory_space<hbm>>
      tpu.enqueue_dma source(%dma_start3A_32 : memref<10240xi32, #tpu.memory_space<hbm>>) target(%arg7 : memref<10240xi32, #tpu.memory_space<vmem>>) target_semaphore(%run_scoped3A_27 : memref<!tpu.dma_semaphore, #tpu.memory_space<semaphore_mem>>)
      %dma_wait3A = arith.constant 0 : i32
      %dma_wait3A_33 = tpu.memref_slice %arg3[%run_scoped3A, %arg0, %arg1, %dma_wait3A] : memref<2x2x16x10240xi32, #tpu.memory_space<hbm>> -> memref<1x1x1x10240xi32, #tpu.memory_space<hbm>>
      %dma_wait3A_34 = tpu.memref_squeeze %dma_wait3A_33 : memref<1x1x1x10240xi32, #tpu.memory_space<hbm>> -> memref<10240xi32, #tpu.memory_space<hbm>>
      %dma_wait3A_35 = arith.constant 0 : i32
      %dma_wait3A_36 = tpu.memref_slice %arg3[%run_scoped3A, %arg0, %arg1, %dma_wait3A_35] : memref<2x2x16x10240xi32, #tpu.memory_space<hbm>> -> memref<1x1x1x10240xi32, #tpu.memory_space<hbm>>
      %dma_wait3A_37 = tpu.memref_squeeze %dma_wait3A_36 : memref<1x1x1x10240xi32, #tpu.memory_space<hbm>> -> memref<10240xi32, #tpu.memory_space<hbm>>
      tpu.wait_dma2 semaphore(%run_scoped3A_27 : memref<!tpu.dma_semaphore, #tpu.memory_space<semaphore_mem>>) src(%dma_wait3A_37 : memref<10240xi32, #tpu.memory_space<hbm>>) dst(%arg7 : memref<10240xi32, #tpu.memory_space<vmem>>)
      tpu.yield
    }) : () -> ()
    %run_scoped3A_0 = arith.constant 1 : i32
    "tpu.region"() ({
      %run_scoped3A_27 = tpu.sem_alloc : memref<!tpu.dma_semaphore, #tpu.memory_space<semaphore_mem>>
      %dma_start3A = arith.constant 0 : i32
      %dma_start3A_28 = tpu.memref_slice %arg3[%run_scoped3A_0, %arg0, %arg1, %dma_start3A] : memref<2x2x16x10240xi32, #tpu.memory_space<hbm>> -> memref<1x1x1x5120xi32, #tpu.memory_space<hbm>>
      %dma_start3A_29 = tpu.memref_squeeze %dma_start3A_28 : memref<1x1x1x5120xi32, #tpu.memory_space<hbm>> -> memref<5120xi32, #tpu.memory_space<hbm>>
      %dma_start3A_30 = arith.constant 0 : i32
      %dma_start3A_31 = tpu.memref_slice %arg3[%run_scoped3A_0, %arg0, %arg1, %dma_start3A_30] : memref<2x2x16x10240xi32, #tpu.memory_space<hbm>> -> memref<1x1x1x5120xi32, #tpu.memory_space<hbm>>
      %dma_start3A_32 = tpu.memref_squeeze %dma_start3A_31 : memref<1x1x1x5120xi32, #tpu.memory_space<hbm>> -> memref<5120xi32, #tpu.memory_space<hbm>>
      tpu.enqueue_dma source(%dma_start3A_32 : memref<5120xi32, #tpu.memory_space<hbm>>) target(%arg8 : memref<5120xi32, #tpu.memory_space<vmem>>) target_semaphore(%run_scoped3A_27 : memref<!tpu.dma_semaphore, #tpu.memory_space<semaphore_mem>>)
      %dma_wait3A = arith.constant 0 : i32
      %dma_wait3A_33 = tpu.memref_slice %arg3[%run_scoped3A_0, %arg0, %arg1, %dma_wait3A] : memref<2x2x16x10240xi32, #tpu.memory_space<hbm>> -> memref<1x1x1x5120xi32, #tpu.memory_space<hbm>>
      %dma_wait3A_34 = tpu.memref_squeeze %dma_wait3A_33 : memref<1x1x1x5120xi32, #tpu.memory_space<hbm>> -> memref<5120xi32, #tpu.memory_space<hbm>>
      %dma_wait3A_35 = arith.constant 0 : i32
      %dma_wait3A_36 = tpu.memref_slice %arg3[%run_scoped3A_0, %arg0, %arg1, %dma_wait3A_35] : memref<2x2x16x10240xi32, #tpu.memory_space<hbm>> -> memref<1x1x1x5120xi32, #tpu.memory_space<hbm>>
      %dma_wait3A_37 = tpu.memref_squeeze %dma_wait3A_36 : memref<1x1x1x5120xi32, #tpu.memory_space<hbm>> -> memref<5120xi32, #tpu.memory_space<hbm>>
      tpu.wait_dma2 semaphore(%run_scoped3A_27 : memref<!tpu.dma_semaphore, #tpu.memory_space<semaphore_mem>>) src(%dma_wait3A_37 : memref<5120xi32, #tpu.memory_space<hbm>>) dst(%arg8 : memref<5120xi32, #tpu.memory_space<vmem>>)
      tpu.yield
    }) : () -> ()
    %lt3A = arith.constant 10 : i32
    %lt3A_1 = arith.cmpi slt, %arg1, %lt3A : i32
    %convert_element_type3A = arith.extui %lt3A_1 : i1 to i32
    %cond3A = arith.constant 0 : i32
    %cond3A_2 = arith.cmpi ne, %convert_element_type3A, %cond3A : i32
    scf.if %cond3A_2 {
      %mul3A = arith.constant 1000 : i32
      %mul3A_27 = arith.muli %arg1, %mul3A : i32
      %add3A = arith.constant 0 : i32
      %add3A_28 = arith.addi %mul3A_27, %add3A : i32
      %eq3A_29 = arith.constant 0 : i32
      %eq3A_30 = arith.cmpi eq, %arg0, %eq3A_29 : i32
      %convert_element_type3A_31 = arith.extui %eq3A_30 : i1 to i32
      %cond3A_32 = arith.constant 0 : i32
      %cond3A_33 = arith.cmpi ne, %convert_element_type3A_31, %cond3A_32 : i32
      scf.if %cond3A_33 {
        "tpu.region"() ({
          %run_scoped3A_95 = tpu.sem_alloc : memref<!tpu.dma_semaphore, #tpu.memory_space<semaphore_mem>>
          %dma_start3A = arith.constant 0 : i32
          %dma_start3A_96 = tpu.memref_slice %arg6[%add3A_28, %dma_start3A] : memref<10008x128xf32, #tpu.memory_space<vmem_shared>> -> memref<200x128xf32, #tpu.memory_space<vmem_shared>>
          %dma_start3A_97 = arith.constant 0 : i32
          %dma_start3A_98 = tpu.memref_slice %arg2[%add3A_28, %dma_start3A_97] : memref<10008x128xf32, #tpu.memory_space<hbm>> -> memref<200x128xf32, #tpu.memory_space<hbm>>
          tpu.enqueue_dma source(%dma_start3A_98 : memref<200x128xf32, #tpu.memory_space<hbm>>) target(%dma_start3A_96 : memref<200x128xf32, #tpu.memory_space<vmem_shared>>) target_semaphore(%run_scoped3A_95 : memref<!tpu.dma_semaphore, #tpu.memory_space<semaphore_mem>>)
          %dma_wait3A = arith.constant 0 : i32
          %dma_wait3A_99 = tpu.memref_slice %arg6[%add3A_28, %dma_wait3A] : memref<10008x128xf32, #tpu.memory_space<vmem_shared>> -> memref<200x128xf32, #tpu.memory_space<vmem_shared>>
          %dma_wait3A_100 = arith.constant 0 : i32
          %dma_wait3A_101 = tpu.memref_slice %arg2[%add3A_28, %dma_wait3A_100] : memref<10008x128xf32, #tpu.memory_space<hbm>> -> memref<200x128xf32, #tpu.memory_space<hbm>>
          tpu.wait_dma2 semaphore(%run_scoped3A_95 : memref<!tpu.dma_semaphore, #tpu.memory_space<semaphore_mem>>) src(%dma_wait3A_101 : memref<200x128xf32, #tpu.memory_space<hbm>>) dst(%dma_wait3A_99 : memref<200x128xf32, #tpu.memory_space<vmem_shared>>)
          tpu.yield
        }) : () -> ()
      } else {
      }
      %eq3A_34 = arith.constant 1 : i32
      %eq3A_35 = arith.cmpi eq, %arg0, %eq3A_34 : i32
      %convert_element_type3A_36 = arith.extui %eq3A_35 : i1 to i32
      %cond3A_37 = arith.constant 0 : i32
      %cond3A_38 = arith.cmpi ne, %convert_element_type3A_36, %cond3A_37 : i32
      scf.if %cond3A_38 {
        "tpu.region"() ({
          %run_scoped3A_95 = tpu.sem_alloc : memref<!tpu.dma_semaphore, #tpu.memory_space<semaphore_mem>>
          %dma_start3A = arith.constant 0 : i32
          %dma_start3A_96 = tpu.memref_slice %arg6[%add3A_28, %dma_start3A] : memref<10008x128xf32, #tpu.memory_space<vmem_shared>> -> memref<200x128xf32, #tpu.memory_space<vmem_shared>>
          tpu.enqueue_dma source(%arg4 : memref<200x128xf32, #tpu.memory_space<hbm>>) target(%dma_start3A_96 : memref<200x128xf32, #tpu.memory_space<vmem_shared>>) target_semaphore(%run_scoped3A_95 : memref<!tpu.dma_semaphore, #tpu.memory_space<semaphore_mem>>)
          %dma_wait3A = arith.constant 0 : i32
          %dma_wait3A_97 = tpu.memref_slice %arg6[%add3A_28, %dma_wait3A] : memref<10008x128xf32, #tpu.memory_space<vmem_shared>> -> memref<200x128xf32, #tpu.memory_space<vmem_shared>>
          tpu.wait_dma2 semaphore(%run_scoped3A_95 : memref<!tpu.dma_semaphore, #tpu.memory_space<semaphore_mem>>) src(%arg4 : memref<200x128xf32, #tpu.memory_space<hbm>>) dst(%dma_wait3A_97 : memref<200x128xf32, #tpu.memory_space<vmem_shared>>)
          tpu.yield
        }) : () -> ()
      } else {
      }
      %mul3A_39 = arith.constant 1000 : i32
      %mul3A_40 = arith.muli %arg1, %mul3A_39 : i32
      %add3A_41 = arith.constant 200 : i32
      %add3A_42 = arith.addi %mul3A_40, %add3A_41 : i32
      %eq3A_43 = arith.constant 0 : i32
      %eq3A_44 = arith.cmpi eq, %arg0, %eq3A_43 : i32
      %convert_element_type3A_45 = arith.extui %eq3A_44 : i1 to i32
      %cond3A_46 = arith.constant 0 : i32
      %cond3A_47 = arith.cmpi ne, %convert_element_type3A_45, %cond3A_46 : i32
      scf.if %cond3A_47 {
        "tpu.region"() ({
          %run_scoped3A_95 = tpu.sem_alloc : memref<!tpu.dma_semaphore, #tpu.memory_space<semaphore_mem>>
          %dma_start3A = arith.constant 0 : i32
          %dma_start3A_96 = tpu.memref_slice %arg6[%add3A_42, %dma_start3A] : memref<10008x128xf32, #tpu.memory_space<vmem_shared>> -> memref<200x128xf32, #tpu.memory_space<vmem_shared>>
          %dma_start3A_97 = arith.constant 0 : i32
          %dma_start3A_98 = tpu.memref_slice %arg2[%add3A_42, %dma_start3A_97] : memref<10008x128xf32, #tpu.memory_space<hbm>> -> memref<200x128xf32, #tpu.memory_space<hbm>>
          tpu.enqueue_dma source(%dma_start3A_98 : memref<200x128xf32, #tpu.memory_space<hbm>>) target(%dma_start3A_96 : memref<200x128xf32, #tpu.memory_space<vmem_shared>>) target_semaphore(%run_scoped3A_95 : memref<!tpu.dma_semaphore, #tpu.memory_space<semaphore_mem>>)
          %dma_wait3A = arith.constant 0 : i32
          %dma_wait3A_99 = tpu.memref_slice %arg6[%add3A_42, %dma_wait3A] : memref<10008x128xf32, #tpu.memory_space<vmem_shared>> -> memref<200x128xf32, #tpu.memory_space<vmem_shared>>
          %dma_wait3A_100 = arith.constant 0 : i32
          %dma_wait3A_101 = tpu.memref_slice %arg2[%add3A_42, %dma_wait3A_100] : memref<10008x128xf32, #tpu.memory_space<hbm>> -> memref<200x128xf32, #tpu.memory_space<hbm>>
          tpu.wait_dma2 semaphore(%run_scoped3A_95 : memref<!tpu.dma_semaphore, #tpu.memory_space<semaphore_mem>>) src(%dma_wait3A_101 : memref<200x128xf32, #tpu.memory_space<hbm>>) dst(%dma_wait3A_99 : memref<200x128xf32, #tpu.memory_space<vmem_shared>>)
          tpu.yield
        }) : () -> ()
      } else {
      }
      %eq3A_48 = arith.constant 1 : i32
      %eq3A_49 = arith.cmpi eq, %arg0, %eq3A_48 : i32
      %convert_element_type3A_50 = arith.extui %eq3A_49 : i1 to i32
      %cond3A_51 = arith.constant 0 : i32
      %cond3A_52 = arith.cmpi ne, %convert_element_type3A_50, %cond3A_51 : i32
      scf.if %cond3A_52 {
        "tpu.region"() ({
          %run_scoped3A_95 = tpu.sem_alloc : memref<!tpu.dma_semaphore, #tpu.memory_space<semaphore_mem>>
          %dma_start3A = arith.constant 0 : i32
          %dma_start3A_96 = tpu.memref_slice %arg6[%add3A_42, %dma_start3A] : memref<10008x128xf32, #tpu.memory_space<vmem_shared>> -> memref<200x128xf32, #tpu.memory_space<vmem_shared>>
          tpu.enqueue_dma source(%arg4 : memref<200x128xf32, #tpu.memory_space<hbm>>) target(%dma_start3A_96 : memref<200x128xf32, #tpu.memory_space<vmem_shared>>) target_semaphore(%run_scoped3A_95 : memref<!tpu.dma_semaphore, #tpu.memory_space<semaphore_mem>>)
          %dma_wait3A = arith.constant 0 : i32
          %dma_wait3A_97 = tpu.memref_slice %arg6[%add3A_42, %dma_wait3A] : memref<10008x128xf32, #tpu.memory_space<vmem_shared>> -> memref<200x128xf32, #tpu.memory_space<vmem_shared>>
          tpu.wait_dma2 semaphore(%run_scoped3A_95 : memref<!tpu.dma_semaphore, #tpu.memory_space<semaphore_mem>>) src(%arg4 : memref<200x128xf32, #tpu.memory_space<hbm>>) dst(%dma_wait3A_97 : memref<200x128xf32, #tpu.memory_space<vmem_shared>>)
          tpu.yield
        }) : () -> ()
      } else {
      }
      %mul3A_53 = arith.constant 1000 : i32
      %mul3A_54 = arith.muli %arg1, %mul3A_53 : i32
      %add3A_55 = arith.constant 400 : i32
      %add3A_56 = arith.addi %mul3A_54, %add3A_55 : i32
      %eq3A_57 = arith.constant 0 : i32
      %eq3A_58 = arith.cmpi eq, %arg0, %eq3A_57 : i32
      %convert_element_type3A_59 = arith.extui %eq3A_58 : i1 to i32
      %cond3A_60 = arith.constant 0 : i32
      %cond3A_61 = arith.cmpi ne, %convert_element_type3A_59, %cond3A_60 : i32
      scf.if %cond3A_61 {
        "tpu.region"() ({
          %run_scoped3A_95 = tpu.sem_alloc : memref<!tpu.dma_semaphore, #tpu.memory_space<semaphore_mem>>
          %dma_start3A = arith.constant 0 : i32
          %dma_start3A_96 = tpu.memref_slice %arg6[%add3A_56, %dma_start3A] : memref<10008x128xf32, #tpu.memory_space<vmem_shared>> -> memref<200x128xf32, #tpu.memory_space<vmem_shared>>
          %dma_start3A_97 = arith.constant 0 : i32
          %dma_start3A_98 = tpu.memref_slice %arg2[%add3A_56, %dma_start3A_97] : memref<10008x128xf32, #tpu.memory_space<hbm>> -> memref<200x128xf32, #tpu.memory_space<hbm>>
          tpu.enqueue_dma source(%dma_start3A_98 : memref<200x128xf32, #tpu.memory_space<hbm>>) target(%dma_start3A_96 : memref<200x128xf32, #tpu.memory_space<vmem_shared>>) target_semaphore(%run_scoped3A_95 : memref<!tpu.dma_semaphore, #tpu.memory_space<semaphore_mem>>)
          %dma_wait3A = arith.constant 0 : i32
          %dma_wait3A_99 = tpu.memref_slice %arg6[%add3A_56, %dma_wait3A] : memref<10008x128xf32, #tpu.memory_space<vmem_shared>> -> memref<200x128xf32, #tpu.memory_space<vmem_shared>>
          %dma_wait3A_100 = arith.constant 0 : i32
          %dma_wait3A_101 = tpu.memref_slice %arg2[%add3A_56, %dma_wait3A_100] : memref<10008x128xf32, #tpu.memory_space<hbm>> -> memref<200x128xf32, #tpu.memory_space<hbm>>
          tpu.wait_dma2 semaphore(%run_scoped3A_95 : memref<!tpu.dma_semaphore, #tpu.memory_space<semaphore_mem>>) src(%dma_wait3A_101 : memref<200x128xf32, #tpu.memory_space<hbm>>) dst(%dma_wait3A_99 : memref<200x128xf32, #tpu.memory_space<vmem_shared>>)
          tpu.yield
        }) : () -> ()
      } else {
      }
      %eq3A_62 = arith.constant 1 : i32
      %eq3A_63 = arith.cmpi eq, %arg0, %eq3A_62 : i32
      %convert_element_type3A_64 = arith.extui %eq3A_63 : i1 to i32
      %cond3A_65 = arith.constant 0 : i32
      %cond3A_66 = arith.cmpi ne, %convert_element_type3A_64, %cond3A_65 : i32
      scf.if %cond3A_66 {
        "tpu.region"() ({
          %run_scoped3A_95 = tpu.sem_alloc : memref<!tpu.dma_semaphore, #tpu.memory_space<semaphore_mem>>
          %dma_start3A = arith.constant 0 : i32
          %dma_start3A_96 = tpu.memref_slice %arg6[%add3A_56, %dma_start3A] : memref<10008x128xf32, #tpu.memory_space<vmem_shared>> -> memref<200x128xf32, #tpu.memory_space<vmem_shared>>
          tpu.enqueue_dma source(%arg4 : memref<200x128xf32, #tpu.memory_space<hbm>>) target(%dma_start3A_96 : memref<200x128xf32, #tpu.memory_space<vmem_shared>>) target_semaphore(%run_scoped3A_95 : memref<!tpu.dma_semaphore, #tpu.memory_space<semaphore_mem>>)
          %dma_wait3A = arith.constant 0 : i32
          %dma_wait3A_97 = tpu.memref_slice %arg6[%add3A_56, %dma_wait3A] : memref<10008x128xf32, #tpu.memory_space<vmem_shared>> -> memref<200x128xf32, #tpu.memory_space<vmem_shared>>
          tpu.wait_dma2 semaphore(%run_scoped3A_95 : memref<!tpu.dma_semaphore, #tpu.memory_space<semaphore_mem>>) src(%arg4 : memref<200x128xf32, #tpu.memory_space<hbm>>) dst(%dma_wait3A_97 : memref<200x128xf32, #tpu.memory_space<vmem_shared>>)
          tpu.yield
        }) : () -> ()
      } else {
      }
      %mul3A_67 = arith.constant 1000 : i32
      %mul3A_68 = arith.muli %arg1, %mul3A_67 : i32
      %add3A_69 = arith.constant 600 : i32
      %add3A_70 = arith.addi %mul3A_68, %add3A_69 : i32
      %eq3A_71 = arith.constant 0 : i32
      %eq3A_72 = arith.cmpi eq, %arg0, %eq3A_71 : i32
      %convert_element_type3A_73 = arith.extui %eq3A_72 : i1 to i32
      %cond3A_74 = arith.constant 0 : i32
      %cond3A_75 = arith.cmpi ne, %convert_element_type3A_73, %cond3A_74 : i32
      scf.if %cond3A_75 {
        "tpu.region"() ({
          %run_scoped3A_95 = tpu.sem_alloc : memref<!tpu.dma_semaphore, #tpu.memory_space<semaphore_mem>>
          %dma_start3A = arith.constant 0 : i32
          %dma_start3A_96 = tpu.memref_slice %arg6[%add3A_70, %dma_start3A] : memref<10008x128xf32, #tpu.memory_space<vmem_shared>> -> memref<200x128xf32, #tpu.memory_space<vmem_shared>>
          %dma_start3A_97 = arith.constant 0 : i32
          %dma_start3A_98 = tpu.memref_slice %arg2[%add3A_70, %dma_start3A_97] : memref<10008x128xf32, #tpu.memory_space<hbm>> -> memref<200x128xf32, #tpu.memory_space<hbm>>
          tpu.enqueue_dma source(%dma_start3A_98 : memref<200x128xf32, #tpu.memory_space<hbm>>) target(%dma_start3A_96 : memref<200x128xf32, #tpu.memory_space<vmem_shared>>) target_semaphore(%run_scoped3A_95 : memref<!tpu.dma_semaphore, #tpu.memory_space<semaphore_mem>>)
          %dma_wait3A = arith.constant 0 : i32
          %dma_wait3A_99 = tpu.memref_slice %arg6[%add3A_70, %dma_wait3A] : memref<10008x128xf32, #tpu.memory_space<vmem_shared>> -> memref<200x128xf32, #tpu.memory_space<vmem_shared>>
          %dma_wait3A_100 = arith.constant 0 : i32
          %dma_wait3A_101 = tpu.memref_slice %arg2[%add3A_70, %dma_wait3A_100] : memref<10008x128xf32, #tpu.memory_space<hbm>> -> memref<200x128xf32, #tpu.memory_space<hbm>>
          tpu.wait_dma2 semaphore(%run_scoped3A_95 : memref<!tpu.dma_semaphore, #tpu.memory_space<semaphore_mem>>) src(%dma_wait3A_101 : memref<200x128xf32, #tpu.memory_space<hbm>>) dst(%dma_wait3A_99 : memref<200x128xf32, #tpu.memory_space<vmem_shared>>)
          tpu.yield
        }) : () -> ()
      } else {
      }
      %eq3A_76 = arith.constant 1 : i32
      %eq3A_77 = arith.cmpi eq, %arg0, %eq3A_76 : i32
      %convert_element_type3A_78 = arith.extui %eq3A_77 : i1 to i32
      %cond3A_79 = arith.constant 0 : i32
      %cond3A_80 = arith.cmpi ne, %convert_element_type3A_78, %cond3A_79 : i32
      scf.if %cond3A_80 {
        "tpu.region"() ({
          %run_scoped3A_95 = tpu.sem_alloc : memref<!tpu.dma_semaphore, #tpu.memory_space<semaphore_mem>>
          %dma_start3A = arith.constant 0 : i32
          %dma_start3A_96 = tpu.memref_slice %arg6[%add3A_70, %dma_start3A] : memref<10008x128xf32, #tpu.memory_space<vmem_shared>> -> memref<200x128xf32, #tpu.memory_space<vmem_shared>>
          tpu.enqueue_dma source(%arg4 : memref<200x128xf32, #tpu.memory_space<hbm>>) target(%dma_start3A_96 : memref<200x128xf32, #tpu.memory_space<vmem_shared>>) target_semaphore(%run_scoped3A_95 : memref<!tpu.dma_semaphore, #tpu.memory_space<semaphore_mem>>)
          %dma_wait3A = arith.constant 0 : i32
          %dma_wait3A_97 = tpu.memref_slice %arg6[%add3A_70, %dma_wait3A] : memref<10008x128xf32, #tpu.memory_space<vmem_shared>> -> memref<200x128xf32, #tpu.memory_space<vmem_shared>>
          tpu.wait_dma2 semaphore(%run_scoped3A_95 : memref<!tpu.dma_semaphore, #tpu.memory_space<semaphore_mem>>) src(%arg4 : memref<200x128xf32, #tpu.memory_space<hbm>>) dst(%dma_wait3A_97 : memref<200x128xf32, #tpu.memory_space<vmem_shared>>)
          tpu.yield
        }) : () -> ()
      } else {
      }
      %mul3A_81 = arith.constant 1000 : i32
      %mul3A_82 = arith.muli %arg1, %mul3A_81 : i32
      %add3A_83 = arith.constant 800 : i32
      %add3A_84 = arith.addi %mul3A_82, %add3A_83 : i32
      %eq3A_85 = arith.constant 0 : i32
      %eq3A_86 = arith.cmpi eq, %arg0, %eq3A_85 : i32
      %convert_element_type3A_87 = arith.extui %eq3A_86 : i1 to i32
      %cond3A_88 = arith.constant 0 : i32
      %cond3A_89 = arith.cmpi ne, %convert_element_type3A_87, %cond3A_88 : i32
      scf.if %cond3A_89 {
        "tpu.region"() ({
          %run_scoped3A_95 = tpu.sem_alloc : memref<!tpu.dma_semaphore, #tpu.memory_space<semaphore_mem>>
          %dma_start3A = arith.constant 0 : i32
          %dma_start3A_96 = tpu.memref_slice %arg6[%add3A_84, %dma_start3A] : memref<10008x128xf32, #tpu.memory_space<vmem_shared>> -> memref<200x128xf32, #tpu.memory_space<vmem_shared>>
          %dma_start3A_97 = arith.constant 0 : i32
          %dma_start3A_98 = tpu.memref_slice %arg2[%add3A_84, %dma_start3A_97] : memref<10008x128xf32, #tpu.memory_space<hbm>> -> memref<200x128xf32, #tpu.memory_space<hbm>>
          tpu.enqueue_dma source(%dma_start3A_98 : memref<200x128xf32, #tpu.memory_space<hbm>>) target(%dma_start3A_96 : memref<200x128xf32, #tpu.memory_space<vmem_shared>>) target_semaphore(%run_scoped3A_95 : memref<!tpu.dma_semaphore, #tpu.memory_space<semaphore_mem>>)
          %dma_wait3A = arith.constant 0 : i32
          %dma_wait3A_99 = tpu.memref_slice %arg6[%add3A_84, %dma_wait3A] : memref<10008x128xf32, #tpu.memory_space<vmem_shared>> -> memref<200x128xf32, #tpu.memory_space<vmem_shared>>
          %dma_wait3A_100 = arith.constant 0 : i32
          %dma_wait3A_101 = tpu.memref_slice %arg2[%add3A_84, %dma_wait3A_100] : memref<10008x128xf32, #tpu.memory_space<hbm>> -> memref<200x128xf32, #tpu.memory_space<hbm>>
          tpu.wait_dma2 semaphore(%run_scoped3A_95 : memref<!tpu.dma_semaphore, #tpu.memory_space<semaphore_mem>>) src(%dma_wait3A_101 : memref<200x128xf32, #tpu.memory_space<hbm>>) dst(%dma_wait3A_99 : memref<200x128xf32, #tpu.memory_space<vmem_shared>>)
          tpu.yield
        }) : () -> ()
      } else {
      }
      %eq3A_90 = arith.constant 1 : i32
      %eq3A_91 = arith.cmpi eq, %arg0, %eq3A_90 : i32
      %convert_element_type3A_92 = arith.extui %eq3A_91 : i1 to i32
      %cond3A_93 = arith.constant 0 : i32
      %cond3A_94 = arith.cmpi ne, %convert_element_type3A_92, %cond3A_93 : i32
      scf.if %cond3A_94 {
        "tpu.region"() ({
          %run_scoped3A_95 = tpu.sem_alloc : memref<!tpu.dma_semaphore, #tpu.memory_space<semaphore_mem>>
          %dma_start3A = arith.constant 0 : i32
          %dma_start3A_96 = tpu.memref_slice %arg6[%add3A_84, %dma_start3A] : memref<10008x128xf32, #tpu.memory_space<vmem_shared>> -> memref<200x128xf32, #tpu.memory_space<vmem_shared>>
          tpu.enqueue_dma source(%arg4 : memref<200x128xf32, #tpu.memory_space<hbm>>) target(%dma_start3A_96 : memref<200x128xf32, #tpu.memory_space<vmem_shared>>) target_semaphore(%run_scoped3A_95 : memref<!tpu.dma_semaphore, #tpu.memory_space<semaphore_mem>>)
          %dma_wait3A = arith.constant 0 : i32
          %dma_wait3A_97 = tpu.memref_slice %arg6[%add3A_84, %dma_wait3A] : memref<10008x128xf32, #tpu.memory_space<vmem_shared>> -> memref<200x128xf32, #tpu.memory_space<vmem_shared>>
          tpu.wait_dma2 semaphore(%run_scoped3A_95 : memref<!tpu.dma_semaphore, #tpu.memory_space<semaphore_mem>>) src(%arg4 : memref<200x128xf32, #tpu.memory_space<hbm>>) dst(%dma_wait3A_97 : memref<200x128xf32, #tpu.memory_space<vmem_shared>>)
          tpu.yield
        }) : () -> ()
      } else {
      }
    } else {
    }
    %eq3A = arith.constant 10 : i32
    %eq3A_3 = arith.cmpi eq, %arg1, %eq3A : i32
    %convert_element_type3A_4 = arith.extui %eq3A_3 : i1 to i32
    %cond3A_5 = arith.constant 0 : i32
    %cond3A_6 = arith.cmpi ne, %convert_element_type3A_4, %cond3A_5 : i32
    scf.if %cond3A_6 {
      "tpu.region"() ({
        %run_scoped3A_27 = tpu.sem_alloc : memref<!tpu.dma_semaphore, #tpu.memory_space<semaphore_mem>>
        %dma_start3A = arith.constant 10000 : i32
        %dma_start3A_28 = arith.constant 0 : i32
        %dma_start3A_29 = tpu.memref_slice %arg6[%dma_start3A, %dma_start3A_28] : memref<10008x128xf32, #tpu.memory_space<vmem_shared>> -> memref<8x128xf32, #tpu.memory_space<vmem_shared>>
        %dma_start3A_30 = arith.constant 0 : i32
        %dma_start3A_31 = arith.constant 0 : i32
        %dma_start3A_32 = tpu.memref_slice %arg4[%dma_start3A_30, %dma_start3A_31] : memref<200x128xf32, #tpu.memory_space<hbm>> -> memref<8x128xf32, #tpu.memory_space<hbm>>
        tpu.enqueue_dma source(%dma_start3A_32 : memref<8x128xf32, #tpu.memory_space<hbm>>) target(%dma_start3A_29 : memref<8x128xf32, #tpu.memory_space<vmem_shared>>) target_semaphore(%run_scoped3A_27 : memref<!tpu.dma_semaphore, #tpu.memory_space<semaphore_mem>>)
        %dma_wait3A = arith.constant 10000 : i32
        %dma_wait3A_33 = arith.constant 0 : i32
        %dma_wait3A_34 = tpu.memref_slice %arg6[%dma_wait3A, %dma_wait3A_33] : memref<10008x128xf32, #tpu.memory_space<vmem_shared>> -> memref<8x128xf32, #tpu.memory_space<vmem_shared>>
        %dma_wait3A_35 = arith.constant 0 : i32
        %dma_wait3A_36 = arith.constant 0 : i32
        %dma_wait3A_37 = tpu.memref_slice %arg4[%dma_wait3A_35, %dma_wait3A_36] : memref<200x128xf32, #tpu.memory_space<hbm>> -> memref<8x128xf32, #tpu.memory_space<hbm>>
        tpu.wait_dma2 semaphore(%run_scoped3A_27 : memref<!tpu.dma_semaphore, #tpu.memory_space<semaphore_mem>>) src(%dma_wait3A_37 : memref<8x128xf32, #tpu.memory_space<hbm>>) dst(%dma_wait3A_34 : memref<8x128xf32, #tpu.memory_space<vmem_shared>>)
        tpu.yield
      }) : () -> ()
    } else {
    }
    %barrier3A = arith.constant 0 : index
    tpu.barrier barrier_id(%barrier3A)
    %scan3A = arith.constant 0 : i32
    %scan3A_7 = arith.constant 0 : i32
    %scan3A_8 = arith.constant 20 : i32
    %scan3A_9 = arith.addi %scan3A_7, %scan3A_8 : i32
    %scan3A_10 = arith.constant 1 : i32
    %scan3A_11 = scf.for %scan3A_27 = %scan3A_7 to %scan3A_9 step %scan3A_10 iter_args(%scan3A_28 = %scan3A) -> (i32)  : i32 {
      %mul3A = arith.constant 256 : i32
      %mul3A_29 = arith.muli %scan3A_27, %mul3A : i32
      %dma_start3A = tpu.memref_slice %arg7[%mul3A_29] : memref<10240xi32, #tpu.memory_space<vmem>> -> memref<256xi32, #tpu.memory_space<vmem>>
      %dma_start3A_30 = arith.constant 0 : i32
      %dma_start3A_31 = arith.constant 0 : i32
      %dma_start3A_32 = tpu.memref_slice %arg2[%dma_start3A_30, %dma_start3A_31] : memref<10008x128xf32, #tpu.memory_space<hbm>> -> memref<10008x128xf32, #tpu.memory_space<hbm>>
      tpu.enqueue_indirect_dma source(%dma_start3A_32 : memref<10008x128xf32, #tpu.memory_space<hbm>>) target(%arg9 : memref<256x128xf32, #tpu.memory_space<vmem>>) offsets(%dma_start3A : memref<256xi32, #tpu.memory_space<vmem>>) semaphore(%arg10 : memref<!tpu.dma_semaphore, #tpu.memory_space<semaphore_mem>>)
      %mul3A_33 = arith.constant 256 : i32
      %mul3A_34 = arith.muli %scan3A_27, %mul3A_33 : i32
      %dma_wait3A = tpu.memref_slice %arg7[%mul3A_34] : memref<10240xi32, #tpu.memory_space<vmem>> -> memref<256xi32, #tpu.memory_space<vmem>>
      %dma_wait3A_35 = arith.constant 0 : i32
      %dma_wait3A_36 = arith.constant 0 : i32
      %dma_wait3A_37 = tpu.memref_slice %arg2[%dma_wait3A_35, %dma_wait3A_36] : memref<10008x128xf32, #tpu.memory_space<hbm>> -> memref<10008x128xf32, #tpu.memory_space<hbm>>
      tpu.wait_indirect_dma semaphore(%arg10 : memref<!tpu.dma_semaphore, #tpu.memory_space<semaphore_mem>>) src(%dma_wait3A_37 : memref<10008x128xf32, #tpu.memory_space<hbm>>) dst(%arg9 : memref<256x128xf32, #tpu.memory_space<vmem>>)
      %jit3A = arith.constant 20 : i32
      %eq3A_38 = arith.constant 0 : i32
      %eq3A_39 = arith.cmpi eq, %jit3A, %eq3A_38 : i32
      %jit3A_40 = arith.constant 1 : i32
      %select_n3A = arith.select %eq3A_39, %jit3A_40, %jit3A : i32
      %rem3A = arith.remsi %scan3A_27, %select_n3A : i32
      %ne3A = arith.constant 0 : i32
      %ne3A_41 = arith.cmpi ne, %rem3A, %ne3A : i32
      %lt3A_42 = arith.constant 0 : i32
      %lt3A_43 = arith.cmpi slt, %rem3A, %lt3A_42 : i32
      %lt3A_44 = arith.constant 0 : i32
      %lt3A_45 = arith.cmpi slt, %select_n3A, %lt3A_44 : i32
      %ne3A_46 = arith.xori %lt3A_43, %lt3A_45 : i1
      %and3A = arith.andi %ne3A_46, %ne3A_41 : i1
      %add3A = arith.addi %rem3A, %select_n3A : i32
      %select_n3A_47 = arith.select %and3A, %add3A, %rem3A : i32
      %mul3A_48 = arith.constant 256 : i32
      %mul3A_49 = arith.muli %select_n3A_47, %mul3A_48 : i32
      "tpu.region"() ({
        %run_scoped3A_51 = tpu.sem_alloc : memref<!tpu.dma_semaphore, #tpu.memory_space<semaphore_mem>>
        %dma_start3A_52 = tpu.memref_slice %arg8[%mul3A_49] : memref<5120xi32, #tpu.memory_space<vmem>> -> memref<256xi32, #tpu.memory_space<vmem>>
        %dma_start3A_53 = arith.constant 0 : i32
        %dma_start3A_54 = arith.constant 0 : i32
        %dma_start3A_55 = tpu.memref_slice %arg6[%dma_start3A_53, %dma_start3A_54] : memref<10008x128xf32, #tpu.memory_space<vmem_shared>> -> memref<10008x128xf32, #tpu.memory_space<vmem_shared>>
        tpu.enqueue_indirect_dma source(%arg9 : memref<256x128xf32, #tpu.memory_space<vmem>>) target(%dma_start3A_55 : memref<10008x128xf32, #tpu.memory_space<vmem_shared>>) offsets(%dma_start3A_52 : memref<256xi32, #tpu.memory_space<vmem>>) semaphore(%run_scoped3A_51 : memref<!tpu.dma_semaphore, #tpu.memory_space<semaphore_mem>>) {add = true}
        %dma_wait3A_56 = tpu.memref_slice %arg8[%mul3A_49] : memref<5120xi32, #tpu.memory_space<vmem>> -> memref<256xi32, #tpu.memory_space<vmem>>
        %dma_wait3A_57 = arith.constant 0 : i32
        %dma_wait3A_58 = arith.constant 0 : i32
        %dma_wait3A_59 = tpu.memref_slice %arg6[%dma_wait3A_57, %dma_wait3A_58] : memref<10008x128xf32, #tpu.memory_space<vmem_shared>> -> memref<10008x128xf32, #tpu.memory_space<vmem_shared>>
        tpu.wait_indirect_dma semaphore(%run_scoped3A_51 : memref<!tpu.dma_semaphore, #tpu.memory_space<semaphore_mem>>) src(%arg9 : memref<256x128xf32, #tpu.memory_space<vmem>>) dst(%dma_wait3A_59 : memref<10008x128xf32, #tpu.memory_space<vmem_shared>>)
        tpu.yield
      }) : () -> ()
      %scan3A_50 = arith.constant 0 : i32
      scf.yield %scan3A_50 : i32
    }
    %scan3A_12 = arith.constant 20 : i32
    %run_scoped3A_13 = arith.constant 1 : i32
    "tpu.region"() ({
      %run_scoped3A_27 = tpu.sem_alloc : memref<!tpu.dma_semaphore, #tpu.memory_space<semaphore_mem>>
      %dma_start3A = arith.constant 5120 : i32
      %dma_start3A_28 = tpu.memref_slice %arg3[%run_scoped3A_13, %arg0, %arg1, %dma_start3A] : memref<2x2x16x10240xi32, #tpu.memory_space<hbm>> -> memref<1x1x1x5120xi32, #tpu.memory_space<hbm>>
      %dma_start3A_29 = tpu.memref_squeeze %dma_start3A_28 : memref<1x1x1x5120xi32, #tpu.memory_space<hbm>> -> memref<5120xi32, #tpu.memory_space<hbm>>
      %dma_start3A_30 = arith.constant 5120 : i32
      %dma_start3A_31 = tpu.memref_slice %arg3[%run_scoped3A_13, %arg0, %arg1, %dma_start3A_30] : memref<2x2x16x10240xi32, #tpu.memory_space<hbm>> -> memref<1x1x1x5120xi32, #tpu.memory_space<hbm>>
      %dma_start3A_32 = tpu.memref_squeeze %dma_start3A_31 : memref<1x1x1x5120xi32, #tpu.memory_space<hbm>> -> memref<5120xi32, #tpu.memory_space<hbm>>
      tpu.enqueue_dma source(%dma_start3A_32 : memref<5120xi32, #tpu.memory_space<hbm>>) target(%arg8 : memref<5120xi32, #tpu.memory_space<vmem>>) target_semaphore(%run_scoped3A_27 : memref<!tpu.dma_semaphore, #tpu.memory_space<semaphore_mem>>)
      %dma_wait3A = arith.constant 5120 : i32
      %dma_wait3A_33 = tpu.memref_slice %arg3[%run_scoped3A_13, %arg0, %arg1, %dma_wait3A] : memref<2x2x16x10240xi32, #tpu.memory_space<hbm>> -> memref<1x1x1x5120xi32, #tpu.memory_space<hbm>>
      %dma_wait3A_34 = tpu.memref_squeeze %dma_wait3A_33 : memref<1x1x1x5120xi32, #tpu.memory_space<hbm>> -> memref<5120xi32, #tpu.memory_space<hbm>>
      %dma_wait3A_35 = arith.constant 5120 : i32
      %dma_wait3A_36 = tpu.memref_slice %arg3[%run_scoped3A_13, %arg0, %arg1, %dma_wait3A_35] : memref<2x2x16x10240xi32, #tpu.memory_space<hbm>> -> memref<1x1x1x5120xi32, #tpu.memory_space<hbm>>
      %dma_wait3A_37 = tpu.memref_squeeze %dma_wait3A_36 : memref<1x1x1x5120xi32, #tpu.memory_space<hbm>> -> memref<5120xi32, #tpu.memory_space<hbm>>
      tpu.wait_dma2 semaphore(%run_scoped3A_27 : memref<!tpu.dma_semaphore, #tpu.memory_space<semaphore_mem>>) src(%dma_wait3A_37 : memref<5120xi32, #tpu.memory_space<hbm>>) dst(%arg8 : memref<5120xi32, #tpu.memory_space<vmem>>)
      tpu.yield
    }) : () -> ()
    %scan3A_14 = arith.constant 0 : i32
    %scan3A_15 = arith.constant 20 : i32
    %scan3A_16 = arith.constant 20 : i32
    %scan3A_17 = arith.addi %scan3A_15, %scan3A_16 : i32
    %scan3A_18 = arith.constant 1 : i32
    %scan3A_19 = scf.for %scan3A_27 = %scan3A_15 to %scan3A_17 step %scan3A_18 iter_args(%scan3A_28 = %scan3A_14) -> (i32)  : i32 {
      %mul3A = arith.constant 256 : i32
      %mul3A_29 = arith.muli %scan3A_27, %mul3A : i32
      %dma_start3A = tpu.memref_slice %arg7[%mul3A_29] : memref<10240xi32, #tpu.memory_space<vmem>> -> memref<256xi32, #tpu.memory_space<vmem>>
      %dma_start3A_30 = arith.constant 0 : i32
      %dma_start3A_31 = arith.constant 0 : i32
      %dma_start3A_32 = tpu.memref_slice %arg2[%dma_start3A_30, %dma_start3A_31] : memref<10008x128xf32, #tpu.memory_space<hbm>> -> memref<10008x128xf32, #tpu.memory_space<hbm>>
      tpu.enqueue_indirect_dma source(%dma_start3A_32 : memref<10008x128xf32, #tpu.memory_space<hbm>>) target(%arg9 : memref<256x128xf32, #tpu.memory_space<vmem>>) offsets(%dma_start3A : memref<256xi32, #tpu.memory_space<vmem>>) semaphore(%arg10 : memref<!tpu.dma_semaphore, #tpu.memory_space<semaphore_mem>>)
      %mul3A_33 = arith.constant 256 : i32
      %mul3A_34 = arith.muli %scan3A_27, %mul3A_33 : i32
      %dma_wait3A = tpu.memref_slice %arg7[%mul3A_34] : memref<10240xi32, #tpu.memory_space<vmem>> -> memref<256xi32, #tpu.memory_space<vmem>>
      %dma_wait3A_35 = arith.constant 0 : i32
      %dma_wait3A_36 = arith.constant 0 : i32
      %dma_wait3A_37 = tpu.memref_slice %arg2[%dma_wait3A_35, %dma_wait3A_36] : memref<10008x128xf32, #tpu.memory_space<hbm>> -> memref<10008x128xf32, #tpu.memory_space<hbm>>
      tpu.wait_indirect_dma semaphore(%arg10 : memref<!tpu.dma_semaphore, #tpu.memory_space<semaphore_mem>>) src(%dma_wait3A_37 : memref<10008x128xf32, #tpu.memory_space<hbm>>) dst(%arg9 : memref<256x128xf32, #tpu.memory_space<vmem>>)
      %jit3A = arith.constant 20 : i32
      %eq3A_38 = arith.constant 0 : i32
      %eq3A_39 = arith.cmpi eq, %jit3A, %eq3A_38 : i32
      %jit3A_40 = arith.constant 1 : i32
      %select_n3A = arith.select %eq3A_39, %jit3A_40, %jit3A : i32
      %rem3A = arith.remsi %scan3A_27, %select_n3A : i32
      %ne3A = arith.constant 0 : i32
      %ne3A_41 = arith.cmpi ne, %rem3A, %ne3A : i32
      %lt3A_42 = arith.constant 0 : i32
      %lt3A_43 = arith.cmpi slt, %rem3A, %lt3A_42 : i32
      %lt3A_44 = arith.constant 0 : i32
      %lt3A_45 = arith.cmpi slt, %select_n3A, %lt3A_44 : i32
      %ne3A_46 = arith.xori %lt3A_43, %lt3A_45 : i1
      %and3A = arith.andi %ne3A_46, %ne3A_41 : i1
      %add3A = arith.addi %rem3A, %select_n3A : i32
      %select_n3A_47 = arith.select %and3A, %add3A, %rem3A : i32
      %mul3A_48 = arith.constant 256 : i32
      %mul3A_49 = arith.muli %select_n3A_47, %mul3A_48 : i32
      "tpu.region"() ({
        %run_scoped3A_51 = tpu.sem_alloc : memref<!tpu.dma_semaphore, #tpu.memory_space<semaphore_mem>>
        %dma_start3A_52 = tpu.memref_slice %arg8[%mul3A_49] : memref<5120xi32, #tpu.memory_space<vmem>> -> memref<256xi32, #tpu.memory_space<vmem>>
        %dma_start3A_53 = arith.constant 0 : i32
        %dma_start3A_54 = arith.constant 0 : i32
        %dma_start3A_55 = tpu.memref_slice %arg6[%dma_start3A_53, %dma_start3A_54] : memref<10008x128xf32, #tpu.memory_space<vmem_shared>> -> memref<10008x128xf32, #tpu.memory_space<vmem_shared>>
        tpu.enqueue_indirect_dma source(%arg9 : memref<256x128xf32, #tpu.memory_space<vmem>>) target(%dma_start3A_55 : memref<10008x128xf32, #tpu.memory_space<vmem_shared>>) offsets(%dma_start3A_52 : memref<256xi32, #tpu.memory_space<vmem>>) semaphore(%run_scoped3A_51 : memref<!tpu.dma_semaphore, #tpu.memory_space<semaphore_mem>>) {add = true}
        %dma_wait3A_56 = tpu.memref_slice %arg8[%mul3A_49] : memref<5120xi32, #tpu.memory_space<vmem>> -> memref<256xi32, #tpu.memory_space<vmem>>
        %dma_wait3A_57 = arith.constant 0 : i32
        %dma_wait3A_58 = arith.constant 0 : i32
        %dma_wait3A_59 = tpu.memref_slice %arg6[%dma_wait3A_57, %dma_wait3A_58] : memref<10008x128xf32, #tpu.memory_space<vmem_shared>> -> memref<10008x128xf32, #tpu.memory_space<vmem_shared>>
        tpu.wait_indirect_dma semaphore(%run_scoped3A_51 : memref<!tpu.dma_semaphore, #tpu.memory_space<semaphore_mem>>) src(%arg9 : memref<256x128xf32, #tpu.memory_space<vmem>>) dst(%dma_wait3A_59 : memref<10008x128xf32, #tpu.memory_space<vmem_shared>>)
        tpu.yield
      }) : () -> ()
      %scan3A_50 = arith.constant 0 : i32
      scf.yield %scan3A_50 : i32
    }
    %scan3A_20 = arith.constant 20 : i32
    %barrier3A_21 = arith.constant 0 : index
    tpu.barrier barrier_id(%barrier3A_21)
    %lt3A_22 = arith.constant 10 : i32
    %lt3A_23 = arith.cmpi slt, %arg1, %lt3A_22 : i32
    %convert_element_type3A_24 = arith.extui %lt3A_23 : i1 to i32
    %cond3A_25 = arith.constant 0 : i32
    %cond3A_26 = arith.cmpi ne, %convert_element_type3A_24, %cond3A_25 : i32
    scf.if %cond3A_26 {
      %mul3A = arith.constant 1000 : i32
      %mul3A_27 = arith.muli %arg1, %mul3A : i32
      %add3A = arith.constant 0 : i32
      %add3A_28 = arith.addi %mul3A_27, %add3A : i32
      "tpu.region"() ({
        %run_scoped3A_45 = tpu.sem_alloc : memref<!tpu.dma_semaphore, #tpu.memory_space<semaphore_mem>>
        %dma_start3A = arith.constant 0 : i32
        %dma_start3A_46 = arith.constant 0 : i32
        %dma_start3A_47 = tpu.memref_slice %arg5[%arg0, %dma_start3A, %dma_start3A_46] : memref<2x10008x128xf32, #tpu.memory_space<hbm>> -> memref<1x10008x128xf32, #tpu.memory_space<hbm>>
        %dma_start3A_48 = tpu.memref_squeeze %dma_start3A_47 : memref<1x10008x128xf32, #tpu.memory_space<hbm>> -> memref<10008x128xf32, #tpu.memory_space<hbm>>
        %dma_start3A_49 = arith.constant 0 : i32
        %dma_start3A_50 = tpu.memref_slice %dma_start3A_48[%add3A_28, %dma_start3A_49] : memref<10008x128xf32, #tpu.memory_space<hbm>> -> memref<200x128xf32, #tpu.memory_space<hbm>>
        %dma_start3A_51 = arith.constant 0 : i32
        %dma_start3A_52 = tpu.memref_slice %arg6[%add3A_28, %dma_start3A_51] : memref<10008x128xf32, #tpu.memory_space<vmem_shared>> -> memref<200x128xf32, #tpu.memory_space<vmem_shared>>
        tpu.enqueue_dma source(%dma_start3A_52 : memref<200x128xf32, #tpu.memory_space<vmem_shared>>) target(%dma_start3A_50 : memref<200x128xf32, #tpu.memory_space<hbm>>) target_semaphore(%run_scoped3A_45 : memref<!tpu.dma_semaphore, #tpu.memory_space<semaphore_mem>>)
        %dma_wait3A = arith.constant 0 : i32
        %dma_wait3A_53 = arith.constant 0 : i32
        %dma_wait3A_54 = tpu.memref_slice %arg5[%arg0, %dma_wait3A, %dma_wait3A_53] : memref<2x10008x128xf32, #tpu.memory_space<hbm>> -> memref<1x10008x128xf32, #tpu.memory_space<hbm>>
        %dma_wait3A_55 = tpu.memref_squeeze %dma_wait3A_54 : memref<1x10008x128xf32, #tpu.memory_space<hbm>> -> memref<10008x128xf32, #tpu.memory_space<hbm>>
        %dma_wait3A_56 = arith.constant 0 : i32
        %dma_wait3A_57 = tpu.memref_slice %dma_wait3A_55[%add3A_28, %dma_wait3A_56] : memref<10008x128xf32, #tpu.memory_space<hbm>> -> memref<200x128xf32, #tpu.memory_space<hbm>>
        %dma_wait3A_58 = arith.constant 0 : i32
        %dma_wait3A_59 = tpu.memref_slice %arg6[%add3A_28, %dma_wait3A_58] : memref<10008x128xf32, #tpu.memory_space<vmem_shared>> -> memref<200x128xf32, #tpu.memory_space<vmem_shared>>
        tpu.wait_dma2 semaphore(%run_scoped3A_45 : memref<!tpu.dma_semaphore, #tpu.memory_space<semaphore_mem>>) src(%dma_wait3A_59 : memref<200x128xf32, #tpu.memory_space<vmem_shared>>) dst(%dma_wait3A_57 : memref<200x128xf32, #tpu.memory_space<hbm>>)
        tpu.yield
      }) : () -> ()
      %mul3A_29 = arith.constant 1000 : i32
      %mul3A_30 = arith.muli %arg1, %mul3A_29 : i32
      %add3A_31 = arith.constant 200 : i32
      %add3A_32 = arith.addi %mul3A_30, %add3A_31 : i32
      "tpu.region"() ({
        %run_scoped3A_45 = tpu.sem_alloc : memref<!tpu.dma_semaphore, #tpu.memory_space<semaphore_mem>>
        %dma_start3A = arith.constant 0 : i32
        %dma_start3A_46 = arith.constant 0 : i32
        %dma_start3A_47 = tpu.memref_slice %arg5[%arg0, %dma_start3A, %dma_start3A_46] : memref<2x10008x128xf32, #tpu.memory_space<hbm>> -> memref<1x10008x128xf32, #tpu.memory_space<hbm>>
        %dma_start3A_48 = tpu.memref_squeeze %dma_start3A_47 : memref<1x10008x128xf32, #tpu.memory_space<hbm>> -> memref<10008x128xf32, #tpu.memory_space<hbm>>
        %dma_start3A_49 = arith.constant 0 : i32
        %dma_start3A_50 = tpu.memref_slice %dma_start3A_48[%add3A_32, %dma_start3A_49] : memref<10008x128xf32, #tpu.memory_space<hbm>> -> memref<200x128xf32, #tpu.memory_space<hbm>>
        %dma_start3A_51 = arith.constant 0 : i32
        %dma_start3A_52 = tpu.memref_slice %arg6[%add3A_32, %dma_start3A_51] : memref<10008x128xf32, #tpu.memory_space<vmem_shared>> -> memref<200x128xf32, #tpu.memory_space<vmem_shared>>
        tpu.enqueue_dma source(%dma_start3A_52 : memref<200x128xf32, #tpu.memory_space<vmem_shared>>) target(%dma_start3A_50 : memref<200x128xf32, #tpu.memory_space<hbm>>) target_semaphore(%run_scoped3A_45 : memref<!tpu.dma_semaphore, #tpu.memory_space<semaphore_mem>>)
        %dma_wait3A = arith.constant 0 : i32
        %dma_wait3A_53 = arith.constant 0 : i32
        %dma_wait3A_54 = tpu.memref_slice %arg5[%arg0, %dma_wait3A, %dma_wait3A_53] : memref<2x10008x128xf32, #tpu.memory_space<hbm>> -> memref<1x10008x128xf32, #tpu.memory_space<hbm>>
        %dma_wait3A_55 = tpu.memref_squeeze %dma_wait3A_54 : memref<1x10008x128xf32, #tpu.memory_space<hbm>> -> memref<10008x128xf32, #tpu.memory_space<hbm>>
        %dma_wait3A_56 = arith.constant 0 : i32
        %dma_wait3A_57 = tpu.memref_slice %dma_wait3A_55[%add3A_32, %dma_wait3A_56] : memref<10008x128xf32, #tpu.memory_space<hbm>> -> memref<200x128xf32, #tpu.memory_space<hbm>>
        %dma_wait3A_58 = arith.constant 0 : i32
        %dma_wait3A_59 = tpu.memref_slice %arg6[%add3A_32, %dma_wait3A_58] : memref<10008x128xf32, #tpu.memory_space<vmem_shared>> -> memref<200x128xf32, #tpu.memory_space<vmem_shared>>
        tpu.wait_dma2 semaphore(%run_scoped3A_45 : memref<!tpu.dma_semaphore, #tpu.memory_space<semaphore_mem>>) src(%dma_wait3A_59 : memref<200x128xf32, #tpu.memory_space<vmem_shared>>) dst(%dma_wait3A_57 : memref<200x128xf32, #tpu.memory_space<hbm>>)
        tpu.yield
      }) : () -> ()
      %mul3A_33 = arith.constant 1000 : i32
      %mul3A_34 = arith.muli %arg1, %mul3A_33 : i32
      %add3A_35 = arith.constant 400 : i32
      %add3A_36 = arith.addi %mul3A_34, %add3A_35 : i32
      "tpu.region"() ({
        %run_scoped3A_45 = tpu.sem_alloc : memref<!tpu.dma_semaphore, #tpu.memory_space<semaphore_mem>>
        %dma_start3A = arith.constant 0 : i32
        %dma_start3A_46 = arith.constant 0 : i32
        %dma_start3A_47 = tpu.memref_slice %arg5[%arg0, %dma_start3A, %dma_start3A_46] : memref<2x10008x128xf32, #tpu.memory_space<hbm>> -> memref<1x10008x128xf32, #tpu.memory_space<hbm>>
        %dma_start3A_48 = tpu.memref_squeeze %dma_start3A_47 : memref<1x10008x128xf32, #tpu.memory_space<hbm>> -> memref<10008x128xf32, #tpu.memory_space<hbm>>
        %dma_start3A_49 = arith.constant 0 : i32
        %dma_start3A_50 = tpu.memref_slice %dma_start3A_48[%add3A_36, %dma_start3A_49] : memref<10008x128xf32, #tpu.memory_space<hbm>> -> memref<200x128xf32, #tpu.memory_space<hbm>>
        %dma_start3A_51 = arith.constant 0 : i32
        %dma_start3A_52 = tpu.memref_slice %arg6[%add3A_36, %dma_start3A_51] : memref<10008x128xf32, #tpu.memory_space<vmem_shared>> -> memref<200x128xf32, #tpu.memory_space<vmem_shared>>
        tpu.enqueue_dma source(%dma_start3A_52 : memref<200x128xf32, #tpu.memory_space<vmem_shared>>) target(%dma_start3A_50 : memref<200x128xf32, #tpu.memory_space<hbm>>) target_semaphore(%run_scoped3A_45 : memref<!tpu.dma_semaphore, #tpu.memory_space<semaphore_mem>>)
        %dma_wait3A = arith.constant 0 : i32
        %dma_wait3A_53 = arith.constant 0 : i32
        %dma_wait3A_54 = tpu.memref_slice %arg5[%arg0, %dma_wait3A, %dma_wait3A_53] : memref<2x10008x128xf32, #tpu.memory_space<hbm>> -> memref<1x10008x128xf32, #tpu.memory_space<hbm>>
        %dma_wait3A_55 = tpu.memref_squeeze %dma_wait3A_54 : memref<1x10008x128xf32, #tpu.memory_space<hbm>> -> memref<10008x128xf32, #tpu.memory_space<hbm>>
        %dma_wait3A_56 = arith.constant 0 : i32
        %dma_wait3A_57 = tpu.memref_slice %dma_wait3A_55[%add3A_36, %dma_wait3A_56] : memref<10008x128xf32, #tpu.memory_space<hbm>> -> memref<200x128xf32, #tpu.memory_space<hbm>>
        %dma_wait3A_58 = arith.constant 0 : i32
        %dma_wait3A_59 = tpu.memref_slice %arg6[%add3A_36, %dma_wait3A_58] : memref<10008x128xf32, #tpu.memory_space<vmem_shared>> -> memref<200x128xf32, #tpu.memory_space<vmem_shared>>
        tpu.wait_dma2 semaphore(%run_scoped3A_45 : memref<!tpu.dma_semaphore, #tpu.memory_space<semaphore_mem>>) src(%dma_wait3A_59 : memref<200x128xf32, #tpu.memory_space<vmem_shared>>) dst(%dma_wait3A_57 : memref<200x128xf32, #tpu.memory_space<hbm>>)
        tpu.yield
      }) : () -> ()
      %mul3A_37 = arith.constant 1000 : i32
      %mul3A_38 = arith.muli %arg1, %mul3A_37 : i32
      %add3A_39 = arith.constant 600 : i32
      %add3A_40 = arith.addi %mul3A_38, %add3A_39 : i32
      "tpu.region"() ({
        %run_scoped3A_45 = tpu.sem_alloc : memref<!tpu.dma_semaphore, #tpu.memory_space<semaphore_mem>>
        %dma_start3A = arith.constant 0 : i32
        %dma_start3A_46 = arith.constant 0 : i32
        %dma_start3A_47 = tpu.memref_slice %arg5[%arg0, %dma_start3A, %dma_start3A_46] : memref<2x10008x128xf32, #tpu.memory_space<hbm>> -> memref<1x10008x128xf32, #tpu.memory_space<hbm>>
        %dma_start3A_48 = tpu.memref_squeeze %dma_start3A_47 : memref<1x10008x128xf32, #tpu.memory_space<hbm>> -> memref<10008x128xf32, #tpu.memory_space<hbm>>
        %dma_start3A_49 = arith.constant 0 : i32
        %dma_start3A_50 = tpu.memref_slice %dma_start3A_48[%add3A_40, %dma_start3A_49] : memref<10008x128xf32, #tpu.memory_space<hbm>> -> memref<200x128xf32, #tpu.memory_space<hbm>>
        %dma_start3A_51 = arith.constant 0 : i32
        %dma_start3A_52 = tpu.memref_slice %arg6[%add3A_40, %dma_start3A_51] : memref<10008x128xf32, #tpu.memory_space<vmem_shared>> -> memref<200x128xf32, #tpu.memory_space<vmem_shared>>
        tpu.enqueue_dma source(%dma_start3A_52 : memref<200x128xf32, #tpu.memory_space<vmem_shared>>) target(%dma_start3A_50 : memref<200x128xf32, #tpu.memory_space<hbm>>) target_semaphore(%run_scoped3A_45 : memref<!tpu.dma_semaphore, #tpu.memory_space<semaphore_mem>>)
        %dma_wait3A = arith.constant 0 : i32
        %dma_wait3A_53 = arith.constant 0 : i32
        %dma_wait3A_54 = tpu.memref_slice %arg5[%arg0, %dma_wait3A, %dma_wait3A_53] : memref<2x10008x128xf32, #tpu.memory_space<hbm>> -> memref<1x10008x128xf32, #tpu.memory_space<hbm>>
        %dma_wait3A_55 = tpu.memref_squeeze %dma_wait3A_54 : memref<1x10008x128xf32, #tpu.memory_space<hbm>> -> memref<10008x128xf32, #tpu.memory_space<hbm>>
        %dma_wait3A_56 = arith.constant 0 : i32
        %dma_wait3A_57 = tpu.memref_slice %dma_wait3A_55[%add3A_40, %dma_wait3A_56] : memref<10008x128xf32, #tpu.memory_space<hbm>> -> memref<200x128xf32, #tpu.memory_space<hbm>>
        %dma_wait3A_58 = arith.constant 0 : i32
        %dma_wait3A_59 = tpu.memref_slice %arg6[%add3A_40, %dma_wait3A_58] : memref<10008x128xf32, #tpu.memory_space<vmem_shared>> -> memref<200x128xf32, #tpu.memory_space<vmem_shared>>
        tpu.wait_dma2 semaphore(%run_scoped3A_45 : memref<!tpu.dma_semaphore, #tpu.memory_space<semaphore_mem>>) src(%dma_wait3A_59 : memref<200x128xf32, #tpu.memory_space<vmem_shared>>) dst(%dma_wait3A_57 : memref<200x128xf32, #tpu.memory_space<hbm>>)
        tpu.yield
      }) : () -> ()
      %mul3A_41 = arith.constant 1000 : i32
      %mul3A_42 = arith.muli %arg1, %mul3A_41 : i32
      %add3A_43 = arith.constant 800 : i32
      %add3A_44 = arith.addi %mul3A_42, %add3A_43 : i32
      "tpu.region"() ({
        %run_scoped3A_45 = tpu.sem_alloc : memref<!tpu.dma_semaphore, #tpu.memory_space<semaphore_mem>>
        %dma_start3A = arith.constant 0 : i32
        %dma_start3A_46 = arith.constant 0 : i32
        %dma_start3A_47 = tpu.memref_slice %arg5[%arg0, %dma_start3A, %dma_start3A_46] : memref<2x10008x128xf32, #tpu.memory_space<hbm>> -> memref<1x10008x128xf32, #tpu.memory_space<hbm>>
        %dma_start3A_48 = tpu.memref_squeeze %dma_start3A_47 : memref<1x10008x128xf32, #tpu.memory_space<hbm>> -> memref<10008x128xf32, #tpu.memory_space<hbm>>
        %dma_start3A_49 = arith.constant 0 : i32
        %dma_start3A_50 = tpu.memref_slice %dma_start3A_48[%add3A_44, %dma_start3A_49] : memref<10008x128xf32, #tpu.memory_space<hbm>> -> memref<200x128xf32, #tpu.memory_space<hbm>>
        %dma_start3A_51 = arith.constant 0 : i32
        %dma_start3A_52 = tpu.memref_slice %arg6[%add3A_44, %dma_start3A_51] : memref<10008x128xf32, #tpu.memory_space<vmem_shared>> -> memref<200x128xf32, #tpu.memory_space<vmem_shared>>
        tpu.enqueue_dma source(%dma_start3A_52 : memref<200x128xf32, #tpu.memory_space<vmem_shared>>) target(%dma_start3A_50 : memref<200x128xf32, #tpu.memory_space<hbm>>) target_semaphore(%run_scoped3A_45 : memref<!tpu.dma_semaphore, #tpu.memory_space<semaphore_mem>>)
        %dma_wait3A = arith.constant 0 : i32
        %dma_wait3A_53 = arith.constant 0 : i32
        %dma_wait3A_54 = tpu.memref_slice %arg5[%arg0, %dma_wait3A, %dma_wait3A_53] : memref<2x10008x128xf32, #tpu.memory_space<hbm>> -> memref<1x10008x128xf32, #tpu.memory_space<hbm>>
        %dma_wait3A_55 = tpu.memref_squeeze %dma_wait3A_54 : memref<1x10008x128xf32, #tpu.memory_space<hbm>> -> memref<10008x128xf32, #tpu.memory_space<hbm>>
        %dma_wait3A_56 = arith.constant 0 : i32
        %dma_wait3A_57 = tpu.memref_slice %dma_wait3A_55[%add3A_44, %dma_wait3A_56] : memref<10008x128xf32, #tpu.memory_space<hbm>> -> memref<200x128xf32, #tpu.memory_space<hbm>>
        %dma_wait3A_58 = arith.constant 0 : i32
        %dma_wait3A_59 = tpu.memref_slice %arg6[%add3A_44, %dma_wait3A_58] : memref<10008x128xf32, #tpu.memory_space<vmem_shared>> -> memref<200x128xf32, #tpu.memory_space<vmem_shared>>
        tpu.wait_dma2 semaphore(%run_scoped3A_45 : memref<!tpu.dma_semaphore, #tpu.memory_space<semaphore_mem>>) src(%dma_wait3A_59 : memref<200x128xf32, #tpu.memory_space<vmem_shared>>) dst(%dma_wait3A_57 : memref<200x128xf32, #tpu.memory_space<hbm>>)
        tpu.yield
      }) : () -> ()
    } else {
    }
    return
  }
}

module attributes {stable_mosaic.version = 14 : i64} {
  func.func @_l1_body(%arg0: memref<2x10240xf32, #tpu.memory_space<vmem>>, %arg1: memref<10000x128xf32, #tpu.memory_space<vmem>>, %arg2: memref<128x128xf32, #tpu.memory_space<vmem>>, %arg3: memref<10008x128xf32, #tpu.memory_space<vmem>>, %arg4: memref<10000xf32, #tpu.memory_space<vmem>>) attributes {dimension_semantics = [], scalar_prefetch = 0 : i64, scratch_operands = 0 : i64, tpu.core_type = #tpu.core_type<tc>} {
    %get3A = arith.constant 0 : index
    %get3A_0 = arith.constant 0 : index
    %get3A_1 = vector.load %arg0[%get3A, %get3A_0] : memref<2x10240xf32, #tpu.memory_space<vmem>>, vector<1x10000xf32>
    %get3A_2 = vector.shape_cast %get3A_1 : vector<1x10000xf32> to vector<10000xf32>
    %get3A_3 = arith.constant 1 : index
    %get3A_4 = arith.constant 0 : index
    %get3A_5 = vector.load %arg0[%get3A_3, %get3A_4] : memref<2x10240xf32, #tpu.memory_space<vmem>>, vector<1x10000xf32>
    %get3A_6 = vector.shape_cast %get3A_5 : vector<1x10000xf32> to vector<10000xf32>
    %add3A = arith.addf %get3A_2, %get3A_6 : vector<10000xf32>
    %add3A_7 = arith.constant 1.000000e+00 : f32
    %add3A_8 = vector.broadcast %add3A_7 : f32 to vector<10000xf32>
    %add3A_9 = arith.addf %add3A, %add3A_8 : vector<10000xf32>
    %rsqrt3A = math.rsqrt %add3A_9 : vector<10000xf32>
    %swap3A = arith.constant 0 : index
    %swap3A_10 = vector.load %arg4[%swap3A] : memref<10000xf32, #tpu.memory_space<vmem>>, vector<10000xf32>
    tpu.vector_store %arg4[%swap3A], %rsqrt3A {strides = array<i32>} : memref<10000xf32, #tpu.memory_space<vmem>>, vector<10000xf32>,
    %get3A_11 = arith.constant 0 : index
    %get3A_12 = arith.constant 0 : index
    %get3A_13 = vector.load %arg1[%get3A_11, %get3A_12] : memref<10000x128xf32, #tpu.memory_space<vmem>>, vector<10000x128xf32>
    %get3A_14 = arith.constant 0 : index
    %get3A_15 = arith.constant 0 : index
    %get3A_16 = vector.load %arg2[%get3A_14, %get3A_15] : memref<128x128xf32, #tpu.memory_space<vmem>>, vector<128x128xf32>
    %dot_general3A = arith.constant dense<0.000000e+00> : vector<10000x128xf32>
    %dot_general3A_17 = tpu.matmul %get3A_13, %get3A_16, %dot_general3A {dimension_numbers = #tpu.dot_dimension_numbers<[1], [0], [0], [1], [0, 0, 1, 1], [], []>, transpose_lhs_hint = false} : vector<10000x128xf32>, vector<128x128xf32>, vector<10000x128xf32> -> vector<10000x128xf32>
    %broadcast_in_dim3A = vector.shape_cast %rsqrt3A : vector<10000xf32> to vector<10000x1xf32>
    %mul3A = vector.broadcast %broadcast_in_dim3A : vector<10000x1xf32> to vector<10000x128xf32>
    %mul3A_18 = arith.mulf %dot_general3A_17, %mul3A : vector<10000x128xf32>
    %swap3A_19 = arith.constant 0 : index
    %swap3A_20 = arith.constant 0 : index
    %swap3A_21 = vector.load %arg3[%swap3A_19, %swap3A_20] : memref<10008x128xf32, #tpu.memory_space<vmem>>, vector<10000x128xf32>
    tpu.vector_store %arg3[%swap3A_19, %swap3A_20], %mul3A_18 {strides = array<i32>} : memref<10008x128xf32, #tpu.memory_space<vmem>>, vector<10000x128xf32>,
    %broadcast_in_dim3A_22 = arith.constant 0.000000e+00 : f32
    %broadcast_in_dim3A_23 = vector.broadcast %broadcast_in_dim3A_22 : f32 to vector<8x128xf32>
    %swap3A_24 = arith.constant 10000 : index
    %swap3A_25 = arith.constant 0 : index
    %swap3A_26 = vector.load %arg3[%swap3A_24, %swap3A_25] : memref<10008x128xf32, #tpu.memory_space<vmem>>, vector<8x128xf32>
    tpu.vector_store %arg3[%swap3A_24, %swap3A_25], %broadcast_in_dim3A_23 {strides = array<i32>} : memref<10008x128xf32, #tpu.memory_space<vmem>>, vector<8x128xf32>,
    return
  }
}

module attributes {stable_mosaic.version = 14 : i64} {
  func.func @_l2_body(%arg0: memref<2x10008x128xf32, #tpu.memory_space<vmem>>, %arg1: memref<10000xf32, #tpu.memory_space<vmem>>, %arg2: memref<128xf32, #tpu.memory_space<vmem>>, %arg3: memref<10008x128xf32, #tpu.memory_space<vmem>>) attributes {dimension_semantics = [], scalar_prefetch = 0 : i64, scratch_operands = 0 : i64, tpu.core_type = #tpu.core_type<tc>} {
    %get3A = arith.constant 0 : index
    %get3A_0 = arith.constant 0 : index
    %get3A_1 = arith.constant 0 : index
    %get3A_2 = vector.load %arg0[%get3A, %get3A_0, %get3A_1] : memref<2x10008x128xf32, #tpu.memory_space<vmem>>, vector<1x10000x128xf32>
    %get3A_3 = vector.shape_cast %get3A_2 : vector<1x10000x128xf32> to vector<10000x128xf32>
    %get3A_4 = arith.constant 1 : index
    %get3A_5 = arith.constant 0 : index
    %get3A_6 = arith.constant 0 : index
    %get3A_7 = vector.load %arg0[%get3A_4, %get3A_5, %get3A_6] : memref<2x10008x128xf32, #tpu.memory_space<vmem>>, vector<1x10000x128xf32>
    %get3A_8 = vector.shape_cast %get3A_7 : vector<1x10000x128xf32> to vector<10000x128xf32>
    %add3A = arith.addf %get3A_3, %get3A_8 : vector<10000x128xf32>
    %get3A_9 = arith.constant 0 : index
    %get3A_10 = vector.load %arg1[%get3A_9] : memref<10000xf32, #tpu.memory_space<vmem>>, vector<10000xf32>
    %broadcast_in_dim3A = vector.shape_cast %get3A_10 : vector<10000xf32> to vector<10000x1xf32>
    %mul3A = vector.broadcast %broadcast_in_dim3A : vector<10000x1xf32> to vector<10000x128xf32>
    %mul3A_11 = arith.mulf %add3A, %mul3A : vector<10000x128xf32>
    %get3A_12 = arith.constant 0 : index
    %get3A_13 = vector.load %arg2[%get3A_12] : memref<128xf32, #tpu.memory_space<vmem>>, vector<128xf32>
    %broadcast_in_dim3A_14 = vector.shape_cast %get3A_13 : vector<128xf32> to vector<1x128xf32>
    %add3A_15 = vector.broadcast %broadcast_in_dim3A_14 : vector<1x128xf32> to vector<10000x128xf32>
    %add3A_16 = arith.addf %mul3A_11, %add3A_15 : vector<10000x128xf32>
    %max3A = arith.constant 0.000000e+00 : f32
    %max3A_17 = vector.broadcast %max3A : f32 to vector<10000x128xf32>
    %max3A_18 = arith.maximumf %add3A_16, %max3A_17 : vector<10000x128xf32>
    %broadcast_in_dim3A_19 = vector.shape_cast %get3A_10 : vector<10000xf32> to vector<10000x1xf32>
    %mul3A_20 = vector.broadcast %broadcast_in_dim3A_19 : vector<10000x1xf32> to vector<10000x128xf32>
    %mul3A_21 = arith.mulf %max3A_18, %mul3A_20 : vector<10000x128xf32>
    %swap3A = arith.constant 0 : index
    %swap3A_22 = arith.constant 0 : index
    %swap3A_23 = vector.load %arg3[%swap3A, %swap3A_22] : memref<10008x128xf32, #tpu.memory_space<vmem>>, vector<10000x128xf32>
    tpu.vector_store %arg3[%swap3A, %swap3A_22], %mul3A_21 {strides = array<i32>} : memref<10008x128xf32, #tpu.memory_space<vmem>>, vector<10000x128xf32>,
    %broadcast_in_dim3A_24 = arith.constant 0.000000e+00 : f32
    %broadcast_in_dim3A_25 = vector.broadcast %broadcast_in_dim3A_24 : f32 to vector<8x128xf32>
    %swap3A_26 = arith.constant 10000 : index
    %swap3A_27 = arith.constant 0 : index
    %swap3A_28 = vector.load %arg3[%swap3A_26, %swap3A_27] : memref<10008x128xf32, #tpu.memory_space<vmem>>, vector<8x128xf32>
    tpu.vector_store %arg3[%swap3A_26, %swap3A_27], %broadcast_in_dim3A_25 {strides = array<i32>} : memref<10008x128xf32, #tpu.memory_space<vmem>>, vector<8x128xf32>,
    return
  }
}

module attributes {stable_mosaic.version = 14 : i64} {
  func.func @_fin_body(%arg0: memref<2x10008x128xf32, #tpu.memory_space<vmem>>, %arg1: memref<10000xf32, #tpu.memory_space<vmem>>, %arg2: memref<128x40xf32, #tpu.memory_space<vmem>>, %arg3: memref<40xf32, #tpu.memory_space<vmem>>, %arg4: memref<10000x40xf32, #tpu.memory_space<vmem>>) attributes {dimension_semantics = [], scalar_prefetch = 0 : i64, scratch_operands = 0 : i64, tpu.core_type = #tpu.core_type<tc>} {
    %get3A = arith.constant 0 : index
    %get3A_0 = arith.constant 0 : index
    %get3A_1 = arith.constant 0 : index
    %get3A_2 = vector.load %arg0[%get3A, %get3A_0, %get3A_1] : memref<2x10008x128xf32, #tpu.memory_space<vmem>>, vector<1x10000x128xf32>
    %get3A_3 = vector.shape_cast %get3A_2 : vector<1x10000x128xf32> to vector<10000x128xf32>
    %get3A_4 = arith.constant 1 : index
    %get3A_5 = arith.constant 0 : index
    %get3A_6 = arith.constant 0 : index
    %get3A_7 = vector.load %arg0[%get3A_4, %get3A_5, %get3A_6] : memref<2x10008x128xf32, #tpu.memory_space<vmem>>, vector<1x10000x128xf32>
    %get3A_8 = vector.shape_cast %get3A_7 : vector<1x10000x128xf32> to vector<10000x128xf32>
    %add3A = arith.addf %get3A_3, %get3A_8 : vector<10000x128xf32>
    %get3A_9 = arith.constant 0 : index
    %get3A_10 = vector.load %arg1[%get3A_9] : memref<10000xf32, #tpu.memory_space<vmem>>, vector<10000xf32>
    %broadcast_in_dim3A = vector.shape_cast %get3A_10 : vector<10000xf32> to vector<10000x1xf32>
    %mul3A = vector.broadcast %broadcast_in_dim3A : vector<10000x1xf32> to vector<10000x128xf32>
    %mul3A_11 = arith.mulf %add3A, %mul3A : vector<10000x128xf32>
    %get3A_12 = arith.constant 0 : index
    %get3A_13 = arith.constant 0 : index
    %get3A_14 = vector.load %arg2[%get3A_12, %get3A_13] : memref<128x40xf32, #tpu.memory_space<vmem>>, vector<128x40xf32>
    %dot_general3A = arith.constant dense<0.000000e+00> : vector<10000x40xf32>
    %dot_general3A_15 = tpu.matmul %mul3A_11, %get3A_14, %dot_general3A {dimension_numbers = #tpu.dot_dimension_numbers<[1], [0], [0], [1], [0, 0, 1, 1], [], []>, transpose_lhs_hint = false} : vector<10000x128xf32>, vector<128x40xf32>, vector<10000x40xf32> -> vector<10000x40xf32>
    %get3A_16 = arith.constant 0 : index
    %get3A_17 = vector.load %arg3[%get3A_16] : memref<40xf32, #tpu.memory_space<vmem>>, vector<40xf32>
    %broadcast_in_dim3A_18 = vector.shape_cast %get3A_17 : vector<40xf32> to vector<1x40xf32>
    %add3A_19 = vector.broadcast %broadcast_in_dim3A_18 : vector<1x40xf32> to vector<10000x40xf32>
    %add3A_20 = arith.addf %dot_general3A_15, %add3A_19 : vector<10000x40xf32>
    %swap3A = arith.constant 0 : index
    %swap3A_21 = arith.constant 0 : index
    %swap3A_22 = vector.load %arg4[%swap3A, %swap3A_21] : memref<10000x40xf32, #tpu.memory_space<vmem>>, vector<10000x40xf32>
    tpu.vector_store %arg4[%swap3A, %swap3A_21], %add3A_20 {strides = array<i32>} : memref<10000x40xf32, #tpu.memory_space<vmem>>, vector<10000x40xf32>,
    return
  }
}

</mosaic_0001>

<sc_bundles>
// kernel: kernel.11.cloned.1.call-start
scs
__scs_entry_jumppad:
0x0: {  	(pc) =	sbr.rel $0x88, $3  }
0x1: {  	(tag) =	ssettag $0x0;
	lr =	simm.s32 $0x1  }
0x2: {  	[smem:$0x3F9B] =	sst lr;
	_ =	strace $0xD0000000  }
0x3: {  	_ = 	snop  }
0x4: {  	_ = 	snop  }
0x5: {  	_ = 	snop  }
0x6: {  	_ = 	snop  }
0x7: {  	_ = 	snop  }
__scs_overlays_trampoline_lowered:
0x8: {  	[smem:$0x3FAA] =	sst s0  }
0x9: {  	[smem:$0x3FAB] =	sst s1  }
0xa: {  	[smem:$0x3FAC] =	sst s2  }
0xb: {  	[smem:$0x3FAD] =	sst s3  }
0xc: {  	[smem:$0x3FAE] =	sst s4  }
0xd: {  	[smem:$0x3FAF] =	sst s5  }
0xe: {  	[smem:$0x3FB0] =	sst s6  }
0xf: {  	[smem:$0x3FB1] =	sst s7  }
0x10: {  	[smem:$0x3FB2] =	sst s8  }
0x11: {  	[smem:$0x3FB3] =	sst s9;
	s0 =	simm.s32 @!p0 $0x0  }
0x12: {  	s1 =	sld [smem:$0x3F99];
	s0 =	simm.s32 @p0 $0x1  }
0x13: {  	[smem:$0x3FB4] =	sst s0;
	s0 =	simm.s32 @!p1 $0x0  }
0x14: {  	s2 =	sld [smem:$0x3F98];
	s0 =	simm.s32 @p1 $0x1  }
0x15: {  	[smem:$0x3FB5] =	sst s0;
	s0 =	simm.s32 @!p2 $0x0  }
0x16: {  	s3 =	sld [smem:$0x3FDB];
	s0 =	simm.s32 @p2 $0x1  }
0x17: {  	s4 =	simm.s32 $0x1BF5;
	[smem:$0x3FB7] =	sst s0  }
0x18: {  	s0 =	sld [smem:$0x3F9A];
	_ =	swait.ge [sflag:s4], $0x0  }
0x19: {  	s7 =	sld [smem:$0x3F9B]  }
0x1a: {  	s8 =	sadd.s32 $0xFFFFE003, lr  }
0x1b: {  	s9 =	sadd.s32 $0xFFFFFEF7, lr;
	s5 =	simm.s32 $0xFFFFFFFF;
	p2 =	slt.u32 s8, $0xFFFFF086  }
0x1c: {  	p1 =	slt.u32 s9, $0xF7A;
	s5 =	simm.s32 @!p2 $0x0  }
0x1d: {  	s5 =	simm.s32 @p1 $0x1;
	p0 =	seq.s32 s7, s2  }
0x1e: {  	s7 =	smul.u32 @!p0 $0xF7A, s2;
	p2 =	seq.s32 @!p0 s5, $0x0  }
0x1f: {  	s9 =	smul.u32 $0xF7A, s1;
	s8 =	simm.s32 @!p0 $0x1BF5;
	p2 =	por !p2, p0  }
0x20: {  	[sflag:s8] =	ssyncset.s32 @!p0 $0xFFFFF086;
	s6 =	sadd.s32 @!p0 s3, s7;
	s7 =	simm.s32 @!p0 $0x108  }
0x21: {  	s3 =	sadd.s32 s3, s9;
	s6 =	sadd.s32 @!p0 $0x88, s6;
	s7 =	simm.s32 @p2 $0x1082  }
0x22: {  	[simem:s7], [sflag:s8] =	dma.local @!p0 [hbm:s6], $0xF7A  }
0x23: {  	s9 =	sor.u32 $0xD0000000, s2;
	s6 =	simm.s32 $0x108;
	_ =	swait.ge @!p0 [sflag:s8], $0x0  }
0x24: {  	s3 =	sadd.s32 $0x88, s3;
	s6 =	simm.s32 @!p1 $0x1082;
	[sflag:s4] =	ssyncset.s32 $0xFFFFF086  }
0x25: {  	[simem:s6], [sflag:s4] =	dma.local [hbm:s3], $0xF7A  }
0x26: {  	[smem:$0x3F9B] =	sst s1;
	(tag) =	ssettag s2;
	_ =	strace s9  }
0x27: {  	s1 =	sld [smem:$0x3FAB]  }
0x28: {  	s2 =	sld [smem:$0x3FAC]  }
0x29: {  	s4 =	sld [smem:$0x3FAE]  }
0x2a: {  	p0 =	seq.s32 s5, $0x0;
	s5 =	sld [smem:$0x3FAF]  }
0x2b: {  	s6 =	sld [smem:$0x3FB0]  }
0x2c: {  	s7 =	sld [smem:$0x3FB1]  }
0x2d: {  	s3 =	simm.s32 $0x108;
	s8 =	sld [smem:$0x3FB2]  }
0x2e: {  	s3 =	simm.s32 @!p0 $0x1082;
	s9 =	sld [smem:$0x3FB3]  }
0x2f: {  	lr =	sadd.s32 s0, s3;
	s0 =	sld [smem:$0x3FAA]  }
0x30: {  	s3 =	sld [smem:$0x3FAD]  }
0x31: {  	[smem:$0x3FB6] =	sst s10  }
0x32: {  	s10 =	sld [smem:$0x3FB4];
	_ =	sdelay $0x3  }
0x33: {  	p0 =	seq.s32 s10, $0x1;
	s10 =	sld [smem:$0x3FB6];
	_ =	sdelay $0x3  }
0x34: {  	[smem:$0x3FB6] =	sst s10  }
0x35: {  	s10 =	sld [smem:$0x3FB5];
	_ =	sdelay $0x3  }
0x36: {  	p1 =	seq.s32 s10, $0x1;
	s10 =	sld [smem:$0x3FB6];
	_ =	sdelay $0x3  }
0x37: {  	[smem:$0x3FB6] =	sst s10  }
0x38: {  	s10 =	sld [smem:$0x3FB7]  }
0x39: {  	_ = 	snop;
	(pc) =	sbr.ind lr, $3  }
0x3a: {  	_ = 	snop  }
0x3b: {  	_ = 	snop  }
0x3c: {  	p2 =	seq.s32 s10, $0x1;
	s10 =	sld [smem:$0x3FB6]  }
0x3d: {  	_ =	shalt  }
0x3e: {  	_ =	shalt  }
0x3f: {  	_ =	shalt  }
0x40: {  	_ =	shalt  }
0x41: {  	_ =	shalt  }
0x42: {  	_ =	shalt  }
0x43: {  	_ =	shalt  }
0x44: {  	_ =	shalt  }
0x45: {  	_ =	shalt  }
0x46: {  	_ =	shalt  }
0x47: {  	_ =	shalt  }
0x48: {  	_ =	shalt  }
0x49: {  	_ =	shalt  }
0x4a: {  	_ =	shalt  }
0x4b: {  	_ =	shalt  }
0x4c: {  	_ =	shalt  }
0x4d: {  	_ =	shalt  }
0x4e: {  	_ =	shalt  }
0x4f: {  	_ =	shalt  }
0x50: {  	_ =	shalt  }
0x51: {  	_ =	shalt  }
0x52: {  	_ =	shalt  }
0x53: {  	_ =	shalt  }
0x54: {  	_ =	shalt  }
0x55: {  	_ =	shalt  }
0x56: {  	_ =	shalt  }
0x57: {  	_ =	shalt  }
0x58: {  	_ =	shalt  }
0x59: {  	_ =	shalt  }
0x5a: {  	_ =	shalt  }
0x5b: {  	_ =	shalt  }
0x5c: {  	_ =	shalt  }
0x5d: {  	_ =	shalt  }
0x5e: {  	_ =	shalt  }
0x5f: {  	_ =	shalt  }
0x60: {  	_ =	shalt  }
0x61: {  	_ =	shalt  }
0x62: {  	_ =	shalt  }
0x63: {  	_ =	shalt  }
0x64: {  	_ =	shalt  }
0x65: {  	_ =	shalt  }
0x66: {  	_ =	shalt  }
0x67: {  	_ =	shalt  }
0x68: {  	_ =	shalt  }
0x69: {  	_ =	shalt  }
0x6a: {  	_ =	shalt  }
0x6b: {  	_ =	shalt  }
0x6c: {  	_ =	shalt  }
0x6d: {  	_ =	shalt  }
0x6e: {  	_ =	shalt  }
0x6f: {  	_ =	shalt  }
0x70: {  	_ =	shalt  }
0x71: {  	_ =	shalt  }
0x72: {  	_ =	shalt  }
0x73: {  	_ =	shalt  }
0x74: {  	_ =	shalt  }
0x75: {  	_ =	shalt  }
0x76: {  	_ =	shalt  }
0x77: {  	_ =	shalt  }
0x78: {  	_ =	shalt  }
0x79: {  	_ =	shalt  }
0x7a: {  	_ =	shalt  }
0x7b: {  	_ =	shalt  }
0x7c: {  	_ =	shalt  }
0x7d: {  	_ =	shalt  }
0x7e: {  	_ =	shalt  }
0x7f: {  	_ =	shalt  }
0x80: {  	_ =	shalt  }
0x81: {  	_ =	shalt  }
0x82: {  	_ =	shalt  }
0x83: {  	_ =	shalt  }
0x84: {  	_ =	shalt  }
0x85: {  	_ =	shalt  }
0x86: {  	_ =	shalt  }
0x87: {  	_ =	shalt  }
.Lfunc_end0:
.L_simem_size_0:
called_computation.1_lowered:
.L_overlay_start_0:
0x88: {  	s2 =	sld [smem:$0x3FD9]  }
0x89: {  	s3 =	sld [smem:$0x3FFE];
	_ =	sdelay $0x1  }
0x8a: {  	s1 =	srdreg.scid  }
0x8b: {  	s0 =	sand.u32 $0x1, s1  }
0x8c: {  	s17 =	sshll.u32 s0, $0xA;
	s2 =	sadd.s32 s3, s2  }
0x8d: {  	s2 =	sadd.s32 s2, s17  }
0x8e: {  	[smem:$0x3FC2] =	sst s2  }
0x8f: {  	_ = 	snop  }
0x90: {  	s2 =	sld [smem:$0x3FD0];
	(tm) =	ssettm $0x1  }
0x91: {  	s18 =	sld [smem:$0x3FFB];
	_ =	sdelay $0x3  }
0x92: {  	_ =	strace s18  }
0x93: {  	s3 =	sld [smem:$0x3FFC];
	_ =	sdelay $0x3  }
0x94: {  	_ =	strace s3  }
0x95: {  	s3 =	sld [smem:$0x3FFD];
	_ =	sdelay $0x3  }
0x96: {  	_ =	strace s3  }
0x97: {  	_ =	strace $0x8FFFFFFF  }
0x98: {  	s19 =	sld [smem:$0x3FDB];
	_ =	sdelay $0x1  }
0x99: {  	s4 =	simm.s32 $_scs_section_size  }
0x9a: {  	s5 =	simm.s32 $_size__tile_overlayer_lowered;
	s6 =	simm.s32 $_tile_overlayer_lowered  }
0x9b: {  	s22 =	simm.s32 $0x1BFF;
	s21 =	sshll.u32 s6, $0x1;
	s3 =	sadd.s32 s4, s19  }
0x9c: {  	s7 =	simm.s32 $0x0;
	s20 =	sshll.u32 s5, $0x1;
	s5 =	sadd.s32 s21, s3  }
0x9d: {  	[timem:s7], [sflag:s22] =	dma.local [hbm:s5], s20  }
0x9e: {  	_ =	swait.ge [sflag:s22], s20  }
0x9f: {  	s4 =	ssub.s32 $0x0, s20;
	[sflag:s22] =	ssyncset.done $0x0  }
0xa0: {  	[sflag:s22] =	ssyncadd.s32 s4;
	_ =	sdelay $0x1  }
0xa1: {  	s23 =	simm.s32 $0x1B8B  }
0xa2: {  	_ =	swait.ge [sflag:s23], $0x1  }
0xa3: {  	[sflag:s23] =	ssyncset.done $0x0  }
0xa4: {  	s25 =	simm.s32 $0x1B8E;
	s24 =	sld [smem:$0x3FFE];
	[sflag:s23] =	ssyncadd.s32 $0xFFFFFFFF  }
0xa5: {  	s26 =	simm.s32 $execute0_lowered;
	[smem:$0x3FD2] =	sst s25  }
0xa6: {  	s5 =	sshll.u32 s26, $0x1;
	_ =	strace $0x80000049;
	[dreg:$0x1] =	wrdreg $0xFFFFFFFF  }
0xa7: {  	s28 =	simm.s32 $_size_execute0_lowered;
	s3 =	sadd.s32 s3, s5;
	[dreg:$0x0] =	wrdreg $0x0  }
0xa8: {  	s5 =	sshll.u32 s28, $0x1;
	[dreg:$0x2] =	wrdreg s3  }
0xa9: {  	[dreg:$0x3] =	wrdreg s5  }
0xaa: {  	[dreg:$0x4] =	wrdreg $0xC0  }
0xab: {  	_ =	task [dreg:s7], $0x5FFFF  }
0xac: {  	[dreg:$0x1] =	wrdreg $0xFFFFFFFF  }
0xad: {  	[dreg:$0x0] =	wrdreg $0x60  }
0xae: {  	[dreg:$0x2] =	wrdreg s24  }
0xaf: {  	[dreg:$0x3] =	wrdreg s2  }
0xb0: {  	[dreg:$0x4] =	wrdreg $0x0  }
0xb1: {  	[dreg:$0x5] =	wrdreg $0x9  }
0xb2: {  	_ =	task.clear_ibuf [dreg:s7], $0x6FFFF;
	_ =	strace $0x90000049  }
0xb3: {  	s29 =	simm.s32 $0x9;
	_ =	strace $0x8000004B  }
0xb4: {  	_ =	swait.ge [sflag:s29], $0x1  }
0xb5: {  	[sflag:s29] =	ssyncadd.s32 $0xFFFFFFFF  }
0xb6: {  	_ =	strace $0x9000004B  }
0xb7: {  	_ =	sfence  }
0xb8: {  	s30 =	sld [smem:$0x0];
	_ =	sdelay $0x2  }
0xb9: {  	s31 =	sshll.u32 s1, $0xD;
	s1 =	sshrl.u32 s1, $0x2  }
0xba: {  	s3 =	sand.u32 $0x4000, s31;
	s1 =	sadd.s32 s1, s30  }
0xbb: {  	s0 =	sor.u32 s3, s0;
	s1 =	sshll.u32 s1, $0x11  }
0xbc: {  	s0 =	sor.u32 s1, s0  }
0xbd: {  	s0 =	sadd.s32 $0x8F2B, s0  }
0xbe: {  	[sflag:s0] =	ssyncadd.remote.s32 $0x1  }
0xbf: {  	_ =	sfence.sel $0xFFFF  }
0xc0: {  	[dreg:$0x0] =	wrdreg $0xFFFFFFFF;
	(pc) =	sbr.abs _section_cstart, $3  }
0xc1: {  	[dreg:$0x1] =	wrdreg $0xFFFFFFFF  }
0xc2: {  	_ =	task.clear_ibuf [dreg:s7], $0x2FFFF;
	_ =	strace $0x9FFFFFFF  }
0xc3: {  	(tm) =	ssettm $0x7FFFFFFF  }
tec
execute0_lowered:
.L_overlay_start_1:
0x0: {  	(tag) =	ssettag $0x1  }
0x1: {  	s0 =	rddreg [dreg:$0x0]  }
0x2: {  	s1 =	rddreg [dreg:$0x1]  }
0x3: {  	s2 =	rddreg [dreg:$0x2];
	s3 =	srdreg.scid;
	s4 =	simm.s32 $0x0  }
0x4: {  	s6 =	sand.u32 $0x1, s3;
	s3 =	stileid.u32;
	[smem:$0x7FF] =	sst s4  }
0x5: {  	s5 =	sadd.s32 $0x17800, s0;
	s11 =	sadd.s32 $0x3800, s0;
	s7 =	smul.u32 $0x27180, s6  }
0x6: {  	s14 =	sadd.s32 $0x138800, s2;
	s8 =	smul.u32 $0x28000, s6;
	s9 =	sshrl.u32 s3, $0x3  }
0x7: {  	_ =	strace $0x8000004A;
	s21 =	sshll.u32 s3, $0x7;
	s23 =	smul.u32 $0x7D000, s3  }
0x8: {  	s10 =	ssub.s32 $0x2, s6;
	s13 =	smul.u32 $0x3E8, s3;
	p0 =	sgt.u32 s3, $0x9  }
0x9: {  	s9 =	smul.u32 $0x14000, s9;
	s22 =	sshrl.u32 s10, $0x1;
	p3 =	sne.s32 @!p0 s6, $0x0  }
0xa: {  	p1 =	sne.s32 @p0 s3, $0xA;
	s6 =	simm.s32 $0x400;
	s0 =	sadd.s32 s7, s0  }
0xb: {  	s7 =	sand.u32 $0x380, s21;
	s26 =	sadd.s32 $0xC8, s13;
	s15 =	sadd.s32 $0x190, s13  }
0xc: {  	s18 =	sadd.s32 $0x258, s13;
	p1 =	por p1, !p0;
	p2 =	por !p3, p0  }
0xd: {  	p3 =	por p3, p0;
	s8 =	sadd.s32 s8, s9;
	s9 =	ssub.s32 s10, s22  }
0xe: {  	s22 =	smul.u32 $0x3E80, s3;
	s17 =	sshll.u32 s26, $0x7;
	s16 =	sshll.u32 s15, $0x7  }
0xf: {  	s29 =	sshll.u32 s15, $0x4;
	s19 =	sshll.u32 s18, $0x7;
	s7 =	sor.u32 s7, s8  }
0x10: {  	s8 =	sshrl.u32 s23, $0x2;
	s23 =	sshll.u32 s26, $0x4;
	s26 =	sadd.s32 $0x320, s13  }
0x11: {  	s15 =	sadd.s32 s19, s2;
	s13 =	sshll.u32 s18, $0x4;
	s19 =	sadd.s32 $0x3EA00, s0  }
0x12: {  	s18 =	smax.u32 s9, $0x1;
	s0 =	sshrl.u32 @!p1 s14, $0x3;
	s9 =	simm.s32 $0x160C0  }
0x13: {  	s14 =	simm.s32 $0x100;
	s24 =	sshrl.u32 s7, $0x3;
	s12 =	sadd.s32 $0x50000, s7  }
0x14: {  	s8 =	sadd.s32 s8, s2;
	s7 =	sadd.s32 $0x5A000, s7;
	[dreg:$0x7] =	wrdreg s18  }
0x15: {  	[dreg:$0x8] =	wrdreg s0;
	s18 =	smov.u32 s22;
	s30 =	sadd.s32 s5, s13  }
0x16: {  	s10 =	sadd.s32 s11, s24;
	s25 =	sshrl.u32 s12, $0x3;
	s20 =	sadd.s32 $0x6400, s8  }
0x17: {  	s21 =	sadd.s32 $0xC800, s8;
	s24 =	sadd.s32 $0x12C00, s8;
	s12 =	sadd.s32 s16, s2  }
0x18: {  	s7 =	sshrl.u32 s7, $0x3;
	s16 =	sshll.u32 s26, $0x4;
	[dreg:$0x4] =	wrdreg s10  }
0x19: {  	s10 =	sadd.s32 s11, s25;
	s25 =	sadd.s32 $0x19000, s8;
	s7 =	sadd.s32 s11, s7  }
0x1a: {  	s0 =	sshrl.u32 @!p2 s20, $0x3;
	s28 =	smov.u32 s16;
	[dreg:$0x5] =	wrdreg s10  }
0x1b: {  	s31 =	sadd.s32 s5, s16;
	s11 =	simm.s32 $0x174C0;
	[dreg:$0x6] =	wrdreg s7  }
0x1c: {  	s10 =	sadd.s32 s17, s2;
	[dreg:$0x9] =	wrdreg s0;
	s0 =	sshrl.u32 @!p2 s21, $0x3  }
0x1d: {  	s7 =	sshll.u32 s26, $0x7;
	s26 =	sadd.s32 s5, s23;
	[dreg:$0xa] =	wrdreg s0  }
0x1e: {  	s17 =	sadd.s32 s7, s2;
	s0 =	sshrl.u32 @!p2 s24, $0x3;
	[dreg:$0xe] =	wrdreg s26  }
0x1f: {  	s24 =	smov.u32 s23;
	[dreg:$0xb] =	wrdreg s0;
	s0 =	sshrl.u32 @!p2 s25, $0x3  }
0x20: {  	s26 =	smov.u32 s13;
	s25 =	sadd.s32 s5, s22;
	[dreg:$0xc] =	wrdreg s0  }
0x21: {  	s7 =	simm.s32 $0x2;
	s13 =	simm.s32 $0x1;
	[dreg:$0xd] =	wrdreg s25  }
0x22: {  	s25 =	smov.u32 s29;
	s29 =	sadd.s32 s5, s29;
	s0 =	simm.s32 $0x80  }
.LBB2_1:
0x23: {  	s16 =	rddreg [dreg:$0x4];
	s20 =	simm.s32 $0x138C0  }
0x24: {  	[tilespmem:s20], [sflag:$0x2] =	stream.strided.gather [hbm4b:s16+s0], $0x2800, s6, s0, $0x38;
	[tilespmem:$0x1F4C0] =	vst v63  }
0x25: {  	_ =	swait.ge [sflag:s7], $0x2800  }
0x26: {  	[sflag:s7] =	ssyncset.done $0x0  }
0x27: {  	s21 =	rddreg [dreg:$0x5];
	[sflag:s7] =	ssyncadd.s32 $0xFFFFD800  }
0x28: {  	[tilespmem:s9], [sflag:$0x2] =	stream.strided.gather [hbm4b:s21+s0], $0x1400, s6, s0, $0x38;
	[tilespmem:$0x1F4C0] =	vst v63  }
0x29: {  	_ =	swait.ge [sflag:s7], $0x1400  }
0x2a: {  	[sflag:s7] =	ssyncset.done $0x0  }
0x2b: {  	s20 =	simm.s32 @!p1 $0x1E82;
	s16 =	rddreg [dreg:$0x8];
	[sflag:s7] =	ssyncadd.s32 $0xFFFFEC00  }
0x2c: {  	[spmem:s16], [sflag:s20] =	dma.local @!p1 [hbm:s1], $0x80  }
0x2d: {  	s20 =	simm.s32 @!p1 $0x2  }
0x2e: {  	_ =	swait.ge @!p1 [sflag:s20], $0x80  }
0x2f: {  	s21 =	sshll.u32 @!p2 s3, $0x6;
	[sflag:s20] =	ssyncset.done @!p1 $0x0  }
0x30: {  	[sflag:s20] =	ssyncadd.s32 @!p1 $0xFFFFFF80;
	s20 =	sor.u32 @!p2 $0x1C02, s21;
	s21 =	sshrl.u32 @!p2 s8, $0x3  }
0x31: {  	[spmem:s21], [sflag:s20] =	dma.local @!p2 [hbm:s1], $0xC80  }
0x32: {  	s21 =	simm.s32 @!p2 $0x2  }
0x33: {  	_ =	swait.ge @!p2 [sflag:s21], $0xC80  }
0x34: {  	[sflag:s21] =	ssyncset.done @!p2 $0x0  }
0x35: {  	s16 =	rddreg [dreg:$0x9];
	[sflag:s21] =	ssyncadd.s32 @!p2 $0xFFFFF380  }
0x36: {  	[spmem:s16], [sflag:s20] =	dma.local @!p2 [hbm:s1], $0xC80  }
0x37: {  	_ =	swait.ge @!p2 [sflag:s21], $0xC80  }
0x38: {  	[sflag:s21] =	ssyncset.done @!p2 $0x0  }
0x39: {  	s16 =	rddreg [dreg:$0xa];
	[sflag:s21] =	ssyncadd.s32 @!p2 $0xFFFFF380  }
0x3a: {  	[spmem:s16], [sflag:s20] =	dma.local @!p2 [hbm:s1], $0xC80  }
0x3b: {  	_ =	swait.ge @!p2 [sflag:s21], $0xC80  }
0x3c: {  	[sflag:s21] =	ssyncset.done @!p2 $0x0  }
0x3d: {  	s16 =	rddreg [dreg:$0xb];
	[sflag:s21] =	ssyncadd.s32 @!p2 $0xFFFFF380  }
0x3e: {  	[spmem:s16], [sflag:s20] =	dma.local @!p2 [hbm:s1], $0xC80  }
0x3f: {  	_ =	swait.ge @!p2 [sflag:s21], $0xC80  }
0x40: {  	[sflag:s21] =	ssyncset.done @!p2 $0x0  }
0x41: {  	s16 =	rddreg [dreg:$0xc];
	[sflag:s21] =	ssyncadd.s32 @!p2 $0xFFFFF380  }
0x42: {  	[spmem:s16], [sflag:s20] =	dma.local @!p2 [hbm:s1], $0xC80  }
0x43: {  	s20 =	sshll.u32 @!p3 s3, $0x6;
	_ =	swait.ge @!p2 [sflag:s21], $0xC80  }
0x44: {  	s20 =	sor.u32 @!p3 $0x1C02, s20;
	[sflag:s21] =	ssyncset.done @!p2 $0x0  }
0x45: {  	s16 =	rddreg [dreg:$0xd];
	[sflag:s21] =	ssyncadd.s32 @!p2 $0xFFFFF380;
	s21 =	sshrl.u32 @!p3 s8, $0x3  }
0x46: {  	[spmem:s21], [sflag:s20] =	dma.local @!p3 [hbm:s16], $0xC80  }
0x47: {  	s21 =	simm.s32 @!p3 $0x2  }
0x48: {  	_ =	swait.ge @!p3 [sflag:s21], $0xC80  }
0x49: {  	[sflag:s21] =	ssyncset.done @!p3 $0x0  }
0x4a: {  	s16 =	sshrl.u32 @!p3 s10, $0x3;
	s22 =	rddreg [dreg:$0xe];
	[sflag:s21] =	ssyncadd.s32 @!p3 $0xFFFFF380  }
0x4b: {  	[spmem:s16], [sflag:s20] =	dma.local @!p3 [hbm:s22], $0xC80  }
0x4c: {  	_ =	swait.ge @!p3 [sflag:s21], $0xC80  }
0x4d: {  	[sflag:s21] =	ssyncset.done @!p3 $0x0  }
0x4e: {  	s16 =	sshrl.u32 @!p3 s12, $0x3;
	[sflag:s21] =	ssyncadd.s32 @!p3 $0xFFFFF380  }
0x4f: {  	[spmem:s16], [sflag:s20] =	dma.local @!p3 [hbm:s29], $0xC80  }
0x50: {  	_ =	swait.ge @!p3 [sflag:s21], $0xC80  }
0x51: {  	[sflag:s21] =	ssyncset.done @!p3 $0x0  }
0x52: {  	s16 =	sshrl.u32 @!p3 s15, $0x3;
	[sflag:s21] =	ssyncadd.s32 @!p3 $0xFFFFF380  }
0x53: {  	[spmem:s16], [sflag:s20] =	dma.local @!p3 [hbm:s30], $0xC80  }
0x54: {  	_ =	swait.ge @!p3 [sflag:s21], $0xC80  }
0x55: {  	[sflag:s21] =	ssyncset.done @!p3 $0x0  }
0x56: {  	s16 =	sshrl.u32 @!p3 s17, $0x3;
	[sflag:s21] =	ssyncadd.s32 @!p3 $0xFFFFF380  }
0x57: {  	[spmem:s16], [sflag:s20] =	dma.local @!p3 [hbm:s31], $0xC80  }
0x58: {  	_ =	swait.ge @!p3 [sflag:s21], $0xC80  }
0x59: {  	[sflag:s21] =	ssyncset.done @!p3 $0x0  }
0x5a: {  	[sflag:s21] =	ssyncadd.s32 @!p3 $0xFFFFF380  }
0x5b: {  	s22 =	simm.s32 $0x138C0;
	[bflag:$0x0] =	sbarrier.arrive $0xFFFF  }
0x5c: {  	[tilespmem:s11], [sflag:$0x1] =	stream.indirect.gather [hbm4b:s5+s14], $0x80, s22, s14, $0xb8;
	[tilespmem:$0x1F4C0] =	vst v63  }
0x5d: {  	_ =	swait.ge [sflag:s13], $0x8000  }
0x5e: {  	[sflag:s13] =	ssyncset.done $0x0  }
0x5f: {  	s23 =	simm.s32 $0x160C0;
	[sflag:s13] =	ssyncadd.s32 $0xFFFF8000  }
0x60: {  	[spmem:s2] =	stream.indirect.scatter.add.f32 [tilespmem:s11], [sflag:$0x2], $0x80, s23, s14, $0xb8;
	[tilespmem:$0x1F4C0] =	vst v63  }
0x61: {  	_ =	swait.ge [sflag:s7], $0x8000  }
0x62: {  	s20 =	simm.s32 $0x100;
	s21 =	simm.s32 $0x800;
	[sflag:s7] =	ssyncset.done $0x0  }
.LBB2_2:
0x63: {  	s16 =	sadd.s32 $0x138C0, s20  }
0x64: {  	[sflag:s7] =	ssyncadd.s32 $0xFFFF8000;
	s22 =	smov.u32 s21;
	s23 =	sadd.s32 $0x400, s21  }
0x65: {  	[tilespmem:s11], [sflag:$0x1] =	stream.indirect.gather [hbm4b:s5+s14], $0x80, s16, s14, $0xb8;
	[tilespmem:$0x1F4C0] =	vst v63  }
0x66: {  	p4 =	sne.s32 s21, $0x4C00;
	_ =	swait.ge [sflag:s13], $0x8000  }
.Ltmp0:
0x67: {  	[sflag:s13] =	ssyncset.done $0x0;
	(pc) =	sbr.rel @p4 .LBB2_2-.Ltmp0, $4  }
0x68: {  	s16 =	sadd.s32 $0x160C0, s20;
	[sflag:s13] =	ssyncadd.s32 $0xFFFF8000  }
0x69: {  	[spmem:s2] =	stream.indirect.scatter.add.f32 [tilespmem:s11], [sflag:$0x2], $0x80, s16, s14, $0xb8;
	[tilespmem:$0x1F4C0] =	vst v63  }
0x6a: {  	_ =	swait.ge [sflag:s7], $0x8000  }
0x6b: {  	s20 =	sshra.s32 s22, $0x2;
	s21 =	smov.u32 s23;
	[sflag:s7] =	ssyncset.done $0x0  }
0x6c: {  	s16 =	sadd.s32 $0x138C0, s20;
	[sflag:s7] =	ssyncadd.s32 $0xFFFF8000  }
0x6d: {  	[tilespmem:s11], [sflag:$0x1] =	stream.indirect.gather [hbm4b:s5+s14], $0x80, s16, s14, $0xb8;
	[tilespmem:$0x1F4C0] =	vst v63  }
0x6e: {  	_ =	swait.ge [sflag:s13], $0x8000  }
0x6f: {  	[sflag:s13] =	ssyncset.done $0x0  }
0x70: {  	s20 =	sadd.s32 $0x160C0, s20;
	[sflag:s13] =	ssyncadd.s32 $0xFFFF8000  }
0x71: {  	[spmem:s2] =	stream.indirect.scatter.add.f32 [tilespmem:s11], [sflag:$0x2], $0x80, s20, s14, $0xb8;
	[tilespmem:$0x1F4C0] =	vst v63  }
0x72: {  	_ =	swait.ge [sflag:s7], $0x8000  }
0x73: {  	[sflag:s7] =	ssyncset.done $0x0  }
0x74: {  	s21 =	rddreg [dreg:$0x6];
	[sflag:s7] =	ssyncadd.s32 $0xFFFF8000  }
0x75: {  	[tilespmem:s9], [sflag:$0x2] =	stream.strided.gather [hbm4b:s21+s0], $0x1400, s6, s0, $0x38;
	[tilespmem:$0x1F4C0] =	vst v63  }
0x76: {  	_ =	swait.ge [sflag:s7], $0x1400  }
0x77: {  	[sflag:s7] =	ssyncset.done $0x0  }
0x78: {  	s22 =	simm.s32 $0x14CC0;
	[sflag:s7] =	ssyncadd.s32 $0xFFFFEC00  }
0x79: {  	[tilespmem:s11], [sflag:$0x1] =	stream.indirect.gather [hbm4b:s5+s14], $0x80, s22, s14, $0xb8;
	[tilespmem:$0x1F4C0] =	vst v63  }
0x7a: {  	_ =	swait.ge [sflag:s13], $0x8000  }
0x7b: {  	[sflag:s13] =	ssyncset.done $0x0  }
0x7c: {  	s23 =	simm.s32 $0x160C0;
	[sflag:s13] =	ssyncadd.s32 $0xFFFF8000  }
0x7d: {  	[spmem:s2] =	stream.indirect.scatter.add.f32 [tilespmem:s11], [sflag:$0x2], $0x80, s23, s14, $0xb8;
	[tilespmem:$0x1F4C0] =	vst v63  }
0x7e: {  	_ =	swait.ge [sflag:s7], $0x8000  }
0x7f: {  	s20 =	simm.s32 $0x100;
	s21 =	simm.s32 $0x800;
	[sflag:s7] =	ssyncset.done $0x0  }
.LBB2_4:
0x80: {  	s16 =	sadd.s32 $0x14CC0, s20  }
0x81: {  	[sflag:s7] =	ssyncadd.s32 $0xFFFF8000;
	s22 =	smov.u32 s21;
	s23 =	sadd.s32 $0x400, s21  }
0x82: {  	[tilespmem:s11], [sflag:$0x1] =	stream.indirect.gather [hbm4b:s5+s14], $0x80, s16, s14, $0xb8;
	[tilespmem:$0x1F4C0] =	vst v63  }
0x83: {  	p4 =	sne.s32 s21, $0x4C00;
	_ =	swait.ge [sflag:s13], $0x8000  }
.Ltmp1:
0x84: {  	[sflag:s13] =	ssyncset.done $0x0;
	(pc) =	sbr.rel @p4 .LBB2_4-.Ltmp1, $4  }
0x85: {  	s16 =	sadd.s32 $0x160C0, s20;
	[sflag:s13] =	ssyncadd.s32 $0xFFFF8000  }
0x86: {  	[spmem:s2] =	stream.indirect.scatter.add.f32 [tilespmem:s11], [sflag:$0x2], $0x80, s16, s14, $0xb8;
	[tilespmem:$0x1F4C0] =	vst v63  }
0x87: {  	_ =	swait.ge [sflag:s7], $0x8000  }
0x88: {  	s20 =	sshra.s32 s22, $0x2;
	s21 =	smov.u32 s23;
	[sflag:s7] =	ssyncset.done $0x0  }
0x89: {  	s16 =	sadd.s32 $0x14CC0, s20;
	[sflag:s7] =	ssyncadd.s32 $0xFFFF8000  }
0x8a: {  	[tilespmem:s11], [sflag:$0x1] =	stream.indirect.gather [hbm4b:s5+s14], $0x80, s16, s14, $0xb8;
	[tilespmem:$0x1F4C0] =	vst v63  }
0x8b: {  	_ =	swait.ge [sflag:s13], $0x8000  }
0x8c: {  	[sflag:s13] =	ssyncset.done $0x0  }
0x8d: {  	s22 =	sadd.s32 $0x160C0, s20;
	[sflag:s13] =	ssyncadd.s32 $0xFFFF8000  }
0x8e: {  	[spmem:s2] =	stream.indirect.scatter.add.f32 [tilespmem:s11], [sflag:$0x2], $0x80, s22, s14, $0xb8;
	[tilespmem:$0x1F4C0] =	vst v63  }
0x8f: {  	_ =	swait.ge [sflag:s7], $0x8000  }
0x90: {  	[sflag:s7] =	ssyncset.done $0x0  }
0x91: {  	s20 =	sadd.s32 @!p0 s18, s19;
	s16 =	sshll.u32 @!p0 s3, $0x6;
	[sflag:s7] =	ssyncadd.s32 $0xFFFF8000  }
0x92: {  	s21 =	sshrl.u32 @!p0 s8, $0x3;
	s16 =	sor.u32 @!p0 $0x1C02, s16;
	[bflag:$0x0] =	sbarrier.arrive $0xFFFF  }
0x93: {  	[hbm:s20], [sflag:s16] =	dma.local @!p0 [spmem:s21], $0xC80  }
0x94: {  	s20 =	simm.s32 @!p0 $0x2  }
0x95: {  	_ =	swait.ge @!p0 [sflag:s20], $0xC80  }
0x96: {  	[sflag:s20] =	ssyncset.done @!p0 $0x0  }
0x97: {  	s22 =	sshrl.u32 @!p0 s10, $0x3;
	s21 =	sadd.s32 @!p0 s24, s19;
	[sflag:s20] =	ssyncadd.s32 @!p0 $0xFFFFF380  }
0x98: {  	[hbm:s21], [sflag:s16] =	dma.local @!p0 [spmem:s22], $0xC80  }
0x99: {  	_ =	swait.ge @!p0 [sflag:s20], $0xC80  }
0x9a: {  	[sflag:s20] =	ssyncset.done @!p0 $0x0  }
0x9b: {  	s21 =	sadd.s32 @!p0 s25, s19;
	s22 =	sshrl.u32 @!p0 s12, $0x3;
	[sflag:s20] =	ssyncadd.s32 @!p0 $0xFFFFF380  }
0x9c: {  	[hbm:s21], [sflag:s16] =	dma.local @!p0 [spmem:s22], $0xC80  }
0x9d: {  	_ =	swait.ge @!p0 [sflag:s20], $0xC80  }
0x9e: {  	[sflag:s20] =	ssyncset.done @!p0 $0x0  }
0x9f: {  	s21 =	sadd.s32 @!p0 s26, s19;
	s22 =	sshrl.u32 @!p0 s15, $0x3;
	[sflag:s20] =	ssyncadd.s32 @!p0 $0xFFFFF380  }
0xa0: {  	[hbm:s21], [sflag:s16] =	dma.local @!p0 [spmem:s22], $0xC80  }
0xa1: {  	_ =	swait.ge @!p0 [sflag:s20], $0xC80  }
0xa2: {  	[sflag:s20] =	ssyncset.done @!p0 $0x0  }
0xa3: {  	s21 =	sadd.s32 @!p0 s28, s19;
	s22 =	sshrl.u32 @!p0 s17, $0x3;
	[sflag:s20] =	ssyncadd.s32 @!p0 $0xFFFFF380  }
0xa4: {  	[hbm:s21], [sflag:s16] =	dma.local @!p0 [spmem:s22], $0xC80  }
0xa5: {  	_ =	swait.ge @!p0 [sflag:s20], $0xC80  }
0xa6: {  	s4 =	sadd.s32 $0x1, s4;
	s23 =	rddreg [dreg:$0x7]  }
0xa7: {  	p4 =	sne.s32 s4, s23  }
.Ltmp2:
0xa8: {  	_ = 	snop;
	(pc) =	sbr.rel @p4 .LBB2_1-.Ltmp2, $3  }
0xa9: {  	_ =	sdelay $0x1  }
0xaa: {  	[sflag:s20] =	ssyncset.done @!p0 $0x0  }
0xab: {  	[sflag:s20] =	ssyncadd.s32 @!p0 $0xFFFFF380  }
0xac: {  	_ =	sfence.sel $0x180000  }
0xad: {  	[bflag:$0x0] =	sbarrier.arrive $0xFFFF  }
0xae: {  	_ =	strace $0x9000004A  }
0xaf: {  	[bflag:$0x2] =	sbarrier.arrive $0xFFFF  }
0xb0: {  	p0 =	sne.s32 s3, $0x0;
	s0 =	rddreg [dreg:$0x3]  }
0xb1: {  	s0 =	sadd.s32 @!p0 $0x100000, s0  }
0xb2: {  	[sflag:s0] =	ssyncadd.tile.s32 @!p0 $0x1;
	_ =	shalt  }
.Lfunc_end2:
_tile_overlayer_lowered:
.L_overlay_start_2:
0xb3: {  	(tag) =	ssettag $0x2  }
0xb4: {  	s0 =	rddreg [dreg:$0x0];
	s2 =	stileid.u32  }
0xb5: {  	s1 =	rddreg [dreg:$0x1];
	p0 =	sne.s32 s2, $0x0  }
0xb6: {  	s3 =	rddreg [dreg:$0x2];
	[bflag:$0x3] =	sbarrier.arrive $0xFFFF;
	s2 =	simm.s32 @!p0 $0x1C02  }
0xb7: {  	[timem:s3], [sflag:s2] =	dma.local @!p0 [hbm:s0], s1  }
0xb8: {  	s0 =	simm.s32 @!p0 $0x2  }
0xb9: {  	_ =	swait.ge @!p0 [sflag:s0], s1  }
0xba: {  	s1 =	ssub.s32 @!p0 $0x0, s1;
	[sflag:s0] =	ssyncset.done @!p0 $0x0  }
0xbb: {  	[sflag:s0] =	ssyncadd.s32 @!p0 s1  }
0xbc: {  	[bflag:$0x3] =	sbarrier.arrive $0xFFFF  }
0xbd: {  	_ =	shalt  }

// kernel: kernel.14.cloned.1.call-start
scs
__scs_entry_jumppad:
0x0: {  	(pc) =	sbr.rel $0x88, $3  }
0x1: {  	(tag) =	ssettag $0x0;
	lr =	simm.s32 $0x1  }
0x2: {  	[smem:$0x3F9B] =	sst lr;
	_ =	strace $0xD0000000  }
0x3: {  	_ = 	snop  }
0x4: {  	_ = 	snop  }
0x5: {  	_ = 	snop  }
0x6: {  	_ = 	snop  }
0x7: {  	_ = 	snop  }
__scs_overlays_trampoline_lowered:
0x8: {  	[smem:$0x3FAA] =	sst s0  }
0x9: {  	[smem:$0x3FAB] =	sst s1  }
0xa: {  	[smem:$0x3FAC] =	sst s2  }
0xb: {  	[smem:$0x3FAD] =	sst s3  }
0xc: {  	[smem:$0x3FAE] =	sst s4  }
0xd: {  	[smem:$0x3FAF] =	sst s5  }
0xe: {  	[smem:$0x3FB0] =	sst s6  }
0xf: {  	[smem:$0x3FB1] =	sst s7  }
0x10: {  	[smem:$0x3FB2] =	sst s8  }
0x11: {  	[smem:$0x3FB3] =	sst s9;
	s0 =	simm.s32 @!p0 $0x0  }
0x12: {  	s1 =	sld [smem:$0x3F99];
	s0 =	simm.s32 @p0 $0x1  }
0x13: {  	[smem:$0x3FB4] =	sst s0;
	s0 =	simm.s32 @!p1 $0x0  }
0x14: {  	s2 =	sld [smem:$0x3F98];
	s0 =	simm.s32 @p1 $0x1  }
0x15: {  	[smem:$0x3FB5] =	sst s0;
	s0 =	simm.s32 @!p2 $0x0  }
0x16: {  	s3 =	sld [smem:$0x3FDB];
	s0 =	simm.s32 @p2 $0x1  }
0x17: {  	s4 =	simm.s32 $0x1BF5;
	[smem:$0x3FB7] =	sst s0  }
0x18: {  	s0 =	sld [smem:$0x3F9A];
	_ =	swait.ge [sflag:s4], $0x0  }
0x19: {  	s7 =	sld [smem:$0x3F9B]  }
0x1a: {  	s8 =	sadd.s32 $0xFFFFE003, lr  }
0x1b: {  	s9 =	sadd.s32 $0xFFFFFEF7, lr;
	s5 =	simm.s32 $0xFFFFFFFF;
	p2 =	slt.u32 s8, $0xFFFFF086  }
0x1c: {  	p1 =	slt.u32 s9, $0xF7A;
	s5 =	simm.s32 @!p2 $0x0  }
0x1d: {  	s5 =	simm.s32 @p1 $0x1;
	p0 =	seq.s32 s7, s2  }
0x1e: {  	s7 =	smul.u32 @!p0 $0xF7A, s2;
	p2 =	seq.s32 @!p0 s5, $0x0  }
0x1f: {  	s9 =	smul.u32 $0xF7A, s1;
	s8 =	simm.s32 @!p0 $0x1BF5;
	p2 =	por !p2, p0  }
0x20: {  	[sflag:s8] =	ssyncset.s32 @!p0 $0xFFFFF086;
	s6 =	sadd.s32 @!p0 s3, s7;
	s7 =	simm.s32 @!p0 $0x108  }
0x21: {  	s3 =	sadd.s32 s3, s9;
	s6 =	sadd.s32 @!p0 $0x88, s6;
	s7 =	simm.s32 @p2 $0x1082  }
0x22: {  	[simem:s7], [sflag:s8] =	dma.local @!p0 [hbm:s6], $0xF7A  }
0x23: {  	s9 =	sor.u32 $0xD0000000, s2;
	s6 =	simm.s32 $0x108;
	_ =	swait.ge @!p0 [sflag:s8], $0x0  }
0x24: {  	s3 =	sadd.s32 $0x88, s3;
	s6 =	simm.s32 @!p1 $0x1082;
	[sflag:s4] =	ssyncset.s32 $0xFFFFF086  }
0x25: {  	[simem:s6], [sflag:s4] =	dma.local [hbm:s3], $0xF7A  }
0x26: {  	[smem:$0x3F9B] =	sst s1;
	(tag) =	ssettag s2;
	_ =	strace s9  }
0x27: {  	s1 =	sld [smem:$0x3FAB]  }
0x28: {  	s2 =	sld [smem:$0x3FAC]  }
0x29: {  	s4 =	sld [smem:$0x3FAE]  }
0x2a: {  	p0 =	seq.s32 s5, $0x0;
	s5 =	sld [smem:$0x3FAF]  }
0x2b: {  	s6 =	sld [smem:$0x3FB0]  }
0x2c: {  	s7 =	sld [smem:$0x3FB1]  }
0x2d: {  	s3 =	simm.s32 $0x108;
	s8 =	sld [smem:$0x3FB2]  }
0x2e: {  	s3 =	simm.s32 @!p0 $0x1082;
	s9 =	sld [smem:$0x3FB3]  }
0x2f: {  	lr =	sadd.s32 s0, s3;
	s0 =	sld [smem:$0x3FAA]  }
0x30: {  	s3 =	sld [smem:$0x3FAD]  }
0x31: {  	[smem:$0x3FB6] =	sst s10  }
0x32: {  	s10 =	sld [smem:$0x3FB4];
	_ =	sdelay $0x3  }
0x33: {  	p0 =	seq.s32 s10, $0x1;
	s10 =	sld [smem:$0x3FB6];
	_ =	sdelay $0x3  }
0x34: {  	[smem:$0x3FB6] =	sst s10  }
0x35: {  	s10 =	sld [smem:$0x3FB5];
	_ =	sdelay $0x3  }
0x36: {  	p1 =	seq.s32 s10, $0x1;
	s10 =	sld [smem:$0x3FB6];
	_ =	sdelay $0x3  }
0x37: {  	[smem:$0x3FB6] =	sst s10  }
0x38: {  	s10 =	sld [smem:$0x3FB7]  }
0x39: {  	_ = 	snop;
	(pc) =	sbr.ind lr, $3  }
0x3a: {  	_ = 	snop  }
0x3b: {  	_ = 	snop  }
0x3c: {  	p2 =	seq.s32 s10, $0x1;
	s10 =	sld [smem:$0x3FB6]  }
0x3d: {  	_ =	shalt  }
0x3e: {  	_ =	shalt  }
0x3f: {  	_ =	shalt  }
0x40: {  	_ =	shalt  }
0x41: {  	_ =	shalt  }
0x42: {  	_ =	shalt  }
0x43: {  	_ =	shalt  }
0x44: {  	_ =	shalt  }
0x45: {  	_ =	shalt  }
0x46: {  	_ =	shalt  }
0x47: {  	_ =	shalt  }
0x48: {  	_ =	shalt  }
0x49: {  	_ =	shalt  }
0x4a: {  	_ =	shalt  }
0x4b: {  	_ =	shalt  }
0x4c: {  	_ =	shalt  }
0x4d: {  	_ =	shalt  }
0x4e: {  	_ =	shalt  }
0x4f: {  	_ =	shalt  }
0x50: {  	_ =	shalt  }
0x51: {  	_ =	shalt  }
0x52: {  	_ =	shalt  }
0x53: {  	_ =	shalt  }
0x54: {  	_ =	shalt  }
0x55: {  	_ =	shalt  }
0x56: {  	_ =	shalt  }
0x57: {  	_ =	shalt  }
0x58: {  	_ =	shalt  }
0x59: {  	_ =	shalt  }
0x5a: {  	_ =	shalt  }
0x5b: {  	_ =	shalt  }
0x5c: {  	_ =	shalt  }
0x5d: {  	_ =	shalt  }
0x5e: {  	_ =	shalt  }
0x5f: {  	_ =	shalt  }
0x60: {  	_ =	shalt  }
0x61: {  	_ =	shalt  }
0x62: {  	_ =	shalt  }
0x63: {  	_ =	shalt  }
0x64: {  	_ =	shalt  }
0x65: {  	_ =	shalt  }
0x66: {  	_ =	shalt  }
0x67: {  	_ =	shalt  }
0x68: {  	_ =	shalt  }
0x69: {  	_ =	shalt  }
0x6a: {  	_ =	shalt  }
0x6b: {  	_ =	shalt  }
0x6c: {  	_ =	shalt  }
0x6d: {  	_ =	shalt  }
0x6e: {  	_ =	shalt  }
0x6f: {  	_ =	shalt  }
0x70: {  	_ =	shalt  }
0x71: {  	_ =	shalt  }
0x72: {  	_ =	shalt  }
0x73: {  	_ =	shalt  }
0x74: {  	_ =	shalt  }
0x75: {  	_ =	shalt  }
0x76: {  	_ =	shalt  }
0x77: {  	_ =	shalt  }
0x78: {  	_ =	shalt  }
0x79: {  	_ =	shalt  }
0x7a: {  	_ =	shalt  }
0x7b: {  	_ =	shalt  }
0x7c: {  	_ =	shalt  }
0x7d: {  	_ =	shalt  }
0x7e: {  	_ =	shalt  }
0x7f: {  	_ =	shalt  }
0x80: {  	_ =	shalt  }
0x81: {  	_ =	shalt  }
0x82: {  	_ =	shalt  }
0x83: {  	_ =	shalt  }
0x84: {  	_ =	shalt  }
0x85: {  	_ =	shalt  }
0x86: {  	_ =	shalt  }
0x87: {  	_ =	shalt  }
.Lfunc_end0:
.L_simem_size_0:
called_computation.2_lowered:
.L_overlay_start_0:
0x88: {  	s2 =	sld [smem:$0x3FD9]  }
0x89: {  	s3 =	sld [smem:$0x3FFE];
	_ =	sdelay $0x1  }
0x8a: {  	s1 =	srdreg.scid  }
0x8b: {  	s0 =	sand.u32 $0x1, s1  }
0x8c: {  	s17 =	sshll.u32 s0, $0xA;
	s2 =	sadd.s32 s3, s2  }
0x8d: {  	s2 =	sadd.s32 s2, s17  }
0x8e: {  	[smem:$0x3FC2] =	sst s2  }
0x8f: {  	_ = 	snop  }
0x90: {  	s2 =	sld [smem:$0x3FD0];
	(tm) =	ssettm $0x1  }
0x91: {  	s18 =	sld [smem:$0x3FFB];
	_ =	sdelay $0x3  }
0x92: {  	_ =	strace s18  }
0x93: {  	s3 =	sld [smem:$0x3FFC];
	_ =	sdelay $0x3  }
0x94: {  	_ =	strace s3  }
0x95: {  	s3 =	sld [smem:$0x3FFD];
	_ =	sdelay $0x3  }
0x96: {  	_ =	strace s3  }
0x97: {  	_ =	strace $0x8FFFFFFF  }
0x98: {  	s19 =	sld [smem:$0x3FDB];
	_ =	sdelay $0x1  }
0x99: {  	s4 =	simm.s32 $_scs_section_size  }
0x9a: {  	s5 =	simm.s32 $_size__tile_overlayer_lowered;
	s6 =	simm.s32 $_tile_overlayer_lowered  }
0x9b: {  	s22 =	simm.s32 $0x1BFF;
	s21 =	sshll.u32 s6, $0x1;
	s3 =	sadd.s32 s4, s19  }
0x9c: {  	s7 =	simm.s32 $0x0;
	s20 =	sshll.u32 s5, $0x1;
	s5 =	sadd.s32 s21, s3  }
0x9d: {  	[timem:s7], [sflag:s22] =	dma.local [hbm:s5], s20  }
0x9e: {  	_ =	swait.ge [sflag:s22], s20  }
0x9f: {  	s4 =	ssub.s32 $0x0, s20;
	[sflag:s22] =	ssyncset.done $0x0  }
0xa0: {  	[sflag:s22] =	ssyncadd.s32 s4;
	_ =	sdelay $0x1  }
0xa1: {  	s23 =	simm.s32 $0x1B8B  }
0xa2: {  	_ =	swait.ge [sflag:s23], $0x1  }
0xa3: {  	[sflag:s23] =	ssyncset.done $0x0  }
0xa4: {  	s25 =	simm.s32 $0x1B8E;
	s24 =	sld [smem:$0x3FFE];
	[sflag:s23] =	ssyncadd.s32 $0xFFFFFFFF  }
0xa5: {  	s26 =	simm.s32 $execute0_lowered;
	[smem:$0x3FD2] =	sst s25  }
0xa6: {  	s5 =	sshll.u32 s26, $0x1;
	_ =	strace $0x8000004C;
	[dreg:$0x1] =	wrdreg $0xFFFFFFFF  }
0xa7: {  	s28 =	simm.s32 $_size_execute0_lowered;
	s3 =	sadd.s32 s3, s5;
	[dreg:$0x0] =	wrdreg $0x0  }
0xa8: {  	s5 =	sshll.u32 s28, $0x1;
	[dreg:$0x2] =	wrdreg s3  }
0xa9: {  	[dreg:$0x3] =	wrdreg s5  }
0xaa: {  	[dreg:$0x4] =	wrdreg $0xC0  }
0xab: {  	_ =	task [dreg:s7], $0x5FFFF  }
0xac: {  	[dreg:$0x1] =	wrdreg $0xFFFFFFFF  }
0xad: {  	[dreg:$0x0] =	wrdreg $0x60  }
0xae: {  	[dreg:$0x2] =	wrdreg s24  }
0xaf: {  	[dreg:$0x3] =	wrdreg s2  }
0xb0: {  	[dreg:$0x4] =	wrdreg $0x0  }
0xb1: {  	[dreg:$0x5] =	wrdreg $0x9  }
0xb2: {  	_ =	task.clear_ibuf [dreg:s7], $0x6FFFF;
	_ =	strace $0x9000004C  }
0xb3: {  	s29 =	simm.s32 $0x9;
	_ =	strace $0x8000004E  }
0xb4: {  	_ =	swait.ge [sflag:s29], $0x1  }
0xb5: {  	[sflag:s29] =	ssyncadd.s32 $0xFFFFFFFF  }
0xb6: {  	_ =	strace $0x9000004E  }
0xb7: {  	_ =	sfence  }
0xb8: {  	s30 =	sld [smem:$0x0];
	_ =	sdelay $0x2  }
0xb9: {  	s31 =	sshll.u32 s1, $0xD;
	s1 =	sshrl.u32 s1, $0x2  }
0xba: {  	s3 =	sand.u32 $0x4000, s31;
	s1 =	sadd.s32 s1, s30  }
0xbb: {  	s0 =	sor.u32 s3, s0;
	s1 =	sshll.u32 s1, $0x11  }
0xbc: {  	s0 =	sor.u32 s1, s0  }
0xbd: {  	s0 =	sadd.s32 $0x8F2B, s0  }
0xbe: {  	[sflag:s0] =	ssyncadd.remote.s32 $0x1  }
0xbf: {  	_ =	sfence.sel $0xFFFF  }
0xc0: {  	[dreg:$0x0] =	wrdreg $0xFFFFFFFF;
	(pc) =	sbr.abs _section_cstart, $3  }
0xc1: {  	[dreg:$0x1] =	wrdreg $0xFFFFFFFF  }
0xc2: {  	_ =	task.clear_ibuf [dreg:s7], $0x2FFFF;
	_ =	strace $0x9FFFFFFF  }
0xc3: {  	(tm) =	ssettm $0x7FFFFFFF  }
tec
execute0_lowered:
.L_overlay_start_1:
0x0: {  	(tag) =	ssettag $0x1  }
0x1: {  	s0 =	rddreg [dreg:$0x0]  }
0x2: {  	s1 =	rddreg [dreg:$0x1]  }
0x3: {  	s2 =	rddreg [dreg:$0x2];
	s3 =	srdreg.scid;
	s4 =	simm.s32 $0x0  }
0x4: {  	s6 =	sand.u32 $0x1, s3;
	s3 =	stileid.u32;
	[smem:$0x7FF] =	sst s4  }
0x5: {  	s5 =	sadd.s32 $0x17800, s0;
	s11 =	sadd.s32 $0x3800, s0;
	s7 =	smul.u32 $0x27180, s6  }
0x6: {  	s14 =	sadd.s32 $0x138800, s2;
	s8 =	smul.u32 $0x28000, s6;
	s9 =	sshrl.u32 s3, $0x3  }
0x7: {  	_ =	strace $0x8000004D;
	s21 =	sshll.u32 s3, $0x7;
	s23 =	smul.u32 $0x7D000, s3  }
0x8: {  	s10 =	ssub.s32 $0x2, s6;
	s13 =	smul.u32 $0x3E8, s3;
	p0 =	sgt.u32 s3, $0x9  }
0x9: {  	s9 =	smul.u32 $0x14000, s9;
	s22 =	sshrl.u32 s10, $0x1;
	p3 =	sne.s32 @!p0 s6, $0x0  }
0xa: {  	p1 =	sne.s32 @p0 s3, $0xA;
	s6 =	simm.s32 $0x400;
	s0 =	sadd.s32 s7, s0  }
0xb: {  	s7 =	sand.u32 $0x380, s21;
	s26 =	sadd.s32 $0xC8, s13;
	s15 =	sadd.s32 $0x190, s13  }
0xc: {  	s18 =	sadd.s32 $0x258, s13;
	p1 =	por p1, !p0;
	p2 =	por !p3, p0  }
0xd: {  	p3 =	por p3, p0;
	s8 =	sadd.s32 s8, s9;
	s9 =	ssub.s32 s10, s22  }
0xe: {  	s22 =	smul.u32 $0x3E80, s3;
	s17 =	sshll.u32 s26, $0x7;
	s16 =	sshll.u32 s15, $0x7  }
0xf: {  	s29 =	sshll.u32 s15, $0x4;
	s19 =	sshll.u32 s18, $0x7;
	s7 =	sor.u32 s7, s8  }
0x10: {  	s8 =	sshrl.u32 s23, $0x2;
	s23 =	sshll.u32 s26, $0x4;
	s26 =	sadd.s32 $0x320, s13  }
0x11: {  	s15 =	sadd.s32 s19, s2;
	s13 =	sshll.u32 s18, $0x4;
	s19 =	sadd.s32 $0x3EA00, s0  }
0x12: {  	s18 =	smax.u32 s9, $0x1;
	s0 =	sshrl.u32 @!p1 s14, $0x3;
	s9 =	simm.s32 $0x160C0  }
0x13: {  	s14 =	simm.s32 $0x100;
	s24 =	sshrl.u32 s7, $0x3;
	s12 =	sadd.s32 $0x50000, s7  }
0x14: {  	s8 =	sadd.s32 s8, s2;
	s7 =	sadd.s32 $0x5A000, s7;
	[dreg:$0x7] =	wrdreg s18  }
0x15: {  	[dreg:$0x8] =	wrdreg s0;
	s18 =	smov.u32 s22;
	s30 =	sadd.s32 s5, s13  }
0x16: {  	s10 =	sadd.s32 s11, s24;
	s25 =	sshrl.u32 s12, $0x3;
	s20 =	sadd.s32 $0x6400, s8  }
0x17: {  	s21 =	sadd.s32 $0xC800, s8;
	s24 =	sadd.s32 $0x12C00, s8;
	s12 =	sadd.s32 s16, s2  }
0x18: {  	s7 =	sshrl.u32 s7, $0x3;
	s16 =	sshll.u32 s26, $0x4;
	[dreg:$0x4] =	wrdreg s10  }
0x19: {  	s10 =	sadd.s32 s11, s25;
	s25 =	sadd.s32 $0x19000, s8;
	s7 =	sadd.s32 s11, s7  }
0x1a: {  	s0 =	sshrl.u32 @!p2 s20, $0x3;
	s28 =	smov.u32 s16;
	[dreg:$0x5] =	wrdreg s10  }
0x1b: {  	s31 =	sadd.s32 s5, s16;
	s11 =	simm.s32 $0x174C0;
	[dreg:$0x6] =	wrdreg s7  }
0x1c: {  	s10 =	sadd.s32 s17, s2;
	[dreg:$0x9] =	wrdreg s0;
	s0 =	sshrl.u32 @!p2 s21, $0x3  }
0x1d: {  	s7 =	sshll.u32 s26, $0x7;
	s26 =	sadd.s32 s5, s23;
	[dreg:$0xa] =	wrdreg s0  }
0x1e: {  	s17 =	sadd.s32 s7, s2;
	s0 =	sshrl.u32 @!p2 s24, $0x3;
	[dreg:$0xe] =	wrdreg s26  }
0x1f: {  	s24 =	smov.u32 s23;
	[dreg:$0xb] =	wrdreg s0;
	s0 =	sshrl.u32 @!p2 s25, $0x3  }
0x20: {  	s26 =	smov.u32 s13;
	s25 =	sadd.s32 s5, s22;
	[dreg:$0xc] =	wrdreg s0  }
0x21: {  	s7 =	simm.s32 $0x2;
	s13 =	simm.s32 $0x1;
	[dreg:$0xd] =	wrdreg s25  }
0x22: {  	s25 =	smov.u32 s29;
	s29 =	sadd.s32 s5, s29;
	s0 =	simm.s32 $0x80  }
.LBB2_1:
0x23: {  	s16 =	rddreg [dreg:$0x4];
	s20 =	simm.s32 $0x138C0  }
0x24: {  	[tilespmem:s20], [sflag:$0x2] =	stream.strided.gather [hbm4b:s16+s0], $0x2800, s6, s0, $0x38;
	[tilespmem:$0x1F4C0] =	vst v63  }
0x25: {  	_ =	swait.ge [sflag:s7], $0x2800  }
0x26: {  	[sflag:s7] =	ssyncset.done $0x0  }
0x27: {  	s21 =	rddreg [dreg:$0x5];
	[sflag:s7] =	ssyncadd.s32 $0xFFFFD800  }
0x28: {  	[tilespmem:s9], [sflag:$0x2] =	stream.strided.gather [hbm4b:s21+s0], $0x1400, s6, s0, $0x38;
	[tilespmem:$0x1F4C0] =	vst v63  }
0x29: {  	_ =	swait.ge [sflag:s7], $0x1400  }
0x2a: {  	[sflag:s7] =	ssyncset.done $0x0  }
0x2b: {  	s20 =	simm.s32 @!p1 $0x1E82;
	s16 =	rddreg [dreg:$0x8];
	[sflag:s7] =	ssyncadd.s32 $0xFFFFEC00  }
0x2c: {  	[spmem:s16], [sflag:s20] =	dma.local @!p1 [hbm:s1], $0x80  }
0x2d: {  	s20 =	simm.s32 @!p1 $0x2  }
0x2e: {  	_ =	swait.ge @!p1 [sflag:s20], $0x80  }
0x2f: {  	s21 =	sshll.u32 @!p2 s3, $0x6;
	[sflag:s20] =	ssyncset.done @!p1 $0x0  }
0x30: {  	[sflag:s20] =	ssyncadd.s32 @!p1 $0xFFFFFF80;
	s20 =	sor.u32 @!p2 $0x1C02, s21;
	s21 =	sshrl.u32 @!p2 s8, $0x3  }
0x31: {  	[spmem:s21], [sflag:s20] =	dma.local @!p2 [hbm:s1], $0xC80  }
0x32: {  	s21 =	simm.s32 @!p2 $0x2  }
0x33: {  	_ =	swait.ge @!p2 [sflag:s21], $0xC80  }
0x34: {  	[sflag:s21] =	ssyncset.done @!p2 $0x0  }
0x35: {  	s16 =	rddreg [dreg:$0x9];
	[sflag:s21] =	ssyncadd.s32 @!p2 $0xFFFFF380  }
0x36: {  	[spmem:s16], [sflag:s20] =	dma.local @!p2 [hbm:s1], $0xC80  }
0x37: {  	_ =	swait.ge @!p2 [sflag:s21], $0xC80  }
0x38: {  	[sflag:s21] =	ssyncset.done @!p2 $0x0  }
0x39: {  	s16 =	rddreg [dreg:$0xa];
	[sflag:s21] =	ssyncadd.s32 @!p2 $0xFFFFF380  }
0x3a: {  	[spmem:s16], [sflag:s20] =	dma.local @!p2 [hbm:s1], $0xC80  }
0x3b: {  	_ =	swait.ge @!p2 [sflag:s21], $0xC80  }
0x3c: {  	[sflag:s21] =	ssyncset.done @!p2 $0x0  }
0x3d: {  	s16 =	rddreg [dreg:$0xb];
	[sflag:s21] =	ssyncadd.s32 @!p2 $0xFFFFF380  }
0x3e: {  	[spmem:s16], [sflag:s20] =	dma.local @!p2 [hbm:s1], $0xC80  }
0x3f: {  	_ =	swait.ge @!p2 [sflag:s21], $0xC80  }
0x40: {  	[sflag:s21] =	ssyncset.done @!p2 $0x0  }
0x41: {  	s16 =	rddreg [dreg:$0xc];
	[sflag:s21] =	ssyncadd.s32 @!p2 $0xFFFFF380  }
0x42: {  	[spmem:s16], [sflag:s20] =	dma.local @!p2 [hbm:s1], $0xC80  }
0x43: {  	s20 =	sshll.u32 @!p3 s3, $0x6;
	_ =	swait.ge @!p2 [sflag:s21], $0xC80  }
0x44: {  	s20 =	sor.u32 @!p3 $0x1C02, s20;
	[sflag:s21] =	ssyncset.done @!p2 $0x0  }
0x45: {  	s16 =	rddreg [dreg:$0xd];
	[sflag:s21] =	ssyncadd.s32 @!p2 $0xFFFFF380;
	s21 =	sshrl.u32 @!p3 s8, $0x3  }
0x46: {  	[spmem:s21], [sflag:s20] =	dma.local @!p3 [hbm:s16], $0xC80  }
0x47: {  	s21 =	simm.s32 @!p3 $0x2  }
0x48: {  	_ =	swait.ge @!p3 [sflag:s21], $0xC80  }
0x49: {  	[sflag:s21] =	ssyncset.done @!p3 $0x0  }
0x4a: {  	s16 =	sshrl.u32 @!p3 s10, $0x3;
	s22 =	rddreg [dreg:$0xe];
	[sflag:s21] =	ssyncadd.s32 @!p3 $0xFFFFF380  }
0x4b: {  	[spmem:s16], [sflag:s20] =	dma.local @!p3 [hbm:s22], $0xC80  }
0x4c: {  	_ =	swait.ge @!p3 [sflag:s21], $0xC80  }
0x4d: {  	[sflag:s21] =	ssyncset.done @!p3 $0x0  }
0x4e: {  	s16 =	sshrl.u32 @!p3 s12, $0x3;
	[sflag:s21] =	ssyncadd.s32 @!p3 $0xFFFFF380  }
0x4f: {  	[spmem:s16], [sflag:s20] =	dma.local @!p3 [hbm:s29], $0xC80  }
0x50: {  	_ =	swait.ge @!p3 [sflag:s21], $0xC80  }
0x51: {  	[sflag:s21] =	ssyncset.done @!p3 $0x0  }
0x52: {  	s16 =	sshrl.u32 @!p3 s15, $0x3;
	[sflag:s21] =	ssyncadd.s32 @!p3 $0xFFFFF380  }
0x53: {  	[spmem:s16], [sflag:s20] =	dma.local @!p3 [hbm:s30], $0xC80  }
0x54: {  	_ =	swait.ge @!p3 [sflag:s21], $0xC80  }
0x55: {  	[sflag:s21] =	ssyncset.done @!p3 $0x0  }
0x56: {  	s16 =	sshrl.u32 @!p3 s17, $0x3;
	[sflag:s21] =	ssyncadd.s32 @!p3 $0xFFFFF380  }
0x57: {  	[spmem:s16], [sflag:s20] =	dma.local @!p3 [hbm:s31], $0xC80  }
0x58: {  	_ =	swait.ge @!p3 [sflag:s21], $0xC80  }
0x59: {  	[sflag:s21] =	ssyncset.done @!p3 $0x0  }
0x5a: {  	[sflag:s21] =	ssyncadd.s32 @!p3 $0xFFFFF380  }
0x5b: {  	s22 =	simm.s32 $0x138C0;
	[bflag:$0x0] =	sbarrier.arrive $0xFFFF  }
0x5c: {  	[tilespmem:s11], [sflag:$0x1] =	stream.indirect.gather [hbm4b:s5+s14], $0x80, s22, s14, $0xb8;
	[tilespmem:$0x1F4C0] =	vst v63  }
0x5d: {  	_ =	swait.ge [sflag:s13], $0x8000  }
0x5e: {  	[sflag:s13] =	ssyncset.done $0x0  }
0x5f: {  	s23 =	simm.s32 $0x160C0;
	[sflag:s13] =	ssyncadd.s32 $0xFFFF8000  }
0x60: {  	[spmem:s2] =	stream.indirect.scatter.add.f32 [tilespmem:s11], [sflag:$0x2], $0x80, s23, s14, $0xb8;
	[tilespmem:$0x1F4C0] =	vst v63  }
0x61: {  	_ =	swait.ge [sflag:s7], $0x8000  }
0x62: {  	s20 =	simm.s32 $0x100;
	s21 =	simm.s32 $0x800;
	[sflag:s7] =	ssyncset.done $0x0  }
.LBB2_2:
0x63: {  	s16 =	sadd.s32 $0x138C0, s20  }
0x64: {  	[sflag:s7] =	ssyncadd.s32 $0xFFFF8000;
	s22 =	smov.u32 s21;
	s23 =	sadd.s32 $0x400, s21  }
0x65: {  	[tilespmem:s11], [sflag:$0x1] =	stream.indirect.gather [hbm4b:s5+s14], $0x80, s16, s14, $0xb8;
	[tilespmem:$0x1F4C0] =	vst v63  }
0x66: {  	p4 =	sne.s32 s21, $0x4C00;
	_ =	swait.ge [sflag:s13], $0x8000  }
.Ltmp0:
0x67: {  	[sflag:s13] =	ssyncset.done $0x0;
	(pc) =	sbr.rel @p4 .LBB2_2-.Ltmp0, $4  }
0x68: {  	s16 =	sadd.s32 $0x160C0, s20;
	[sflag:s13] =	ssyncadd.s32 $0xFFFF8000  }
0x69: {  	[spmem:s2] =	stream.indirect.scatter.add.f32 [tilespmem:s11], [sflag:$0x2], $0x80, s16, s14, $0xb8;
	[tilespmem:$0x1F4C0] =	vst v63  }
0x6a: {  	_ =	swait.ge [sflag:s7], $0x8000  }
0x6b: {  	s20 =	sshra.s32 s22, $0x2;
	s21 =	smov.u32 s23;
	[sflag:s7] =	ssyncset.done $0x0  }
0x6c: {  	s16 =	sadd.s32 $0x138C0, s20;
	[sflag:s7] =	ssyncadd.s32 $0xFFFF8000  }
0x6d: {  	[tilespmem:s11], [sflag:$0x1] =	stream.indirect.gather [hbm4b:s5+s14], $0x80, s16, s14, $0xb8;
	[tilespmem:$0x1F4C0] =	vst v63  }
0x6e: {  	_ =	swait.ge [sflag:s13], $0x8000  }
0x6f: {  	[sflag:s13] =	ssyncset.done $0x0  }
0x70: {  	s20 =	sadd.s32 $0x160C0, s20;
	[sflag:s13] =	ssyncadd.s32 $0xFFFF8000  }
0x71: {  	[spmem:s2] =	stream.indirect.scatter.add.f32 [tilespmem:s11], [sflag:$0x2], $0x80, s20, s14, $0xb8;
	[tilespmem:$0x1F4C0] =	vst v63  }
0x72: {  	_ =	swait.ge [sflag:s7], $0x8000  }
0x73: {  	[sflag:s7] =	ssyncset.done $0x0  }
0x74: {  	s21 =	rddreg [dreg:$0x6];
	[sflag:s7] =	ssyncadd.s32 $0xFFFF8000  }
0x75: {  	[tilespmem:s9], [sflag:$0x2] =	stream.strided.gather [hbm4b:s21+s0], $0x1400, s6, s0, $0x38;
	[tilespmem:$0x1F4C0] =	vst v63  }
0x76: {  	_ =	swait.ge [sflag:s7], $0x1400  }
0x77: {  	[sflag:s7] =	ssyncset.done $0x0  }
0x78: {  	s22 =	simm.s32 $0x14CC0;
	[sflag:s7] =	ssyncadd.s32 $0xFFFFEC00  }
0x79: {  	[tilespmem:s11], [sflag:$0x1] =	stream.indirect.gather [hbm4b:s5+s14], $0x80, s22, s14, $0xb8;
	[tilespmem:$0x1F4C0] =	vst v63  }
0x7a: {  	_ =	swait.ge [sflag:s13], $0x8000  }
0x7b: {  	[sflag:s13] =	ssyncset.done $0x0  }
0x7c: {  	s23 =	simm.s32 $0x160C0;
	[sflag:s13] =	ssyncadd.s32 $0xFFFF8000  }
0x7d: {  	[spmem:s2] =	stream.indirect.scatter.add.f32 [tilespmem:s11], [sflag:$0x2], $0x80, s23, s14, $0xb8;
	[tilespmem:$0x1F4C0] =	vst v63  }
0x7e: {  	_ =	swait.ge [sflag:s7], $0x8000  }
0x7f: {  	s20 =	simm.s32 $0x100;
	s21 =	simm.s32 $0x800;
	[sflag:s7] =	ssyncset.done $0x0  }
.LBB2_4:
0x80: {  	s16 =	sadd.s32 $0x14CC0, s20  }
0x81: {  	[sflag:s7] =	ssyncadd.s32 $0xFFFF8000;
	s22 =	smov.u32 s21;
	s23 =	sadd.s32 $0x400, s21  }
0x82: {  	[tilespmem:s11], [sflag:$0x1] =	stream.indirect.gather [hbm4b:s5+s14], $0x80, s16, s14, $0xb8;
	[tilespmem:$0x1F4C0] =	vst v63  }
0x83: {  	p4 =	sne.s32 s21, $0x4C00;
	_ =	swait.ge [sflag:s13], $0x8000  }
.Ltmp1:
0x84: {  	[sflag:s13] =	ssyncset.done $0x0;
	(pc) =	sbr.rel @p4 .LBB2_4-.Ltmp1, $4  }
0x85: {  	s16 =	sadd.s32 $0x160C0, s20;
	[sflag:s13] =	ssyncadd.s32 $0xFFFF8000  }
0x86: {  	[spmem:s2] =	stream.indirect.scatter.add.f32 [tilespmem:s11], [sflag:$0x2], $0x80, s16, s14, $0xb8;
	[tilespmem:$0x1F4C0] =	vst v63  }
0x87: {  	_ =	swait.ge [sflag:s7], $0x8000  }
0x88: {  	s20 =	sshra.s32 s22, $0x2;
	s21 =	smov.u32 s23;
	[sflag:s7] =	ssyncset.done $0x0  }
0x89: {  	s16 =	sadd.s32 $0x14CC0, s20;
	[sflag:s7] =	ssyncadd.s32 $0xFFFF8000  }
0x8a: {  	[tilespmem:s11], [sflag:$0x1] =	stream.indirect.gather [hbm4b:s5+s14], $0x80, s16, s14, $0xb8;
	[tilespmem:$0x1F4C0] =	vst v63  }
0x8b: {  	_ =	swait.ge [sflag:s13], $0x8000  }
0x8c: {  	[sflag:s13] =	ssyncset.done $0x0  }
0x8d: {  	s22 =	sadd.s32 $0x160C0, s20;
	[sflag:s13] =	ssyncadd.s32 $0xFFFF8000  }
0x8e: {  	[spmem:s2] =	stream.indirect.scatter.add.f32 [tilespmem:s11], [sflag:$0x2], $0x80, s22, s14, $0xb8;
	[tilespmem:$0x1F4C0] =	vst v63  }
0x8f: {  	_ =	swait.ge [sflag:s7], $0x8000  }
0x90: {  	[sflag:s7] =	ssyncset.done $0x0  }
0x91: {  	s20 =	sadd.s32 @!p0 s18, s19;
	s16 =	sshll.u32 @!p0 s3, $0x6;
	[sflag:s7] =	ssyncadd.s32 $0xFFFF8000  }
0x92: {  	s21 =	sshrl.u32 @!p0 s8, $0x3;
	s16 =	sor.u32 @!p0 $0x1C02, s16;
	[bflag:$0x0] =	sbarrier.arrive $0xFFFF  }
0x93: {  	[hbm:s20], [sflag:s16] =	dma.local @!p0 [spmem:s21], $0xC80  }
0x94: {  	s20 =	simm.s32 @!p0 $0x2  }
0x95: {  	_ =	swait.ge @!p0 [sflag:s20], $0xC80  }
0x96: {  	[sflag:s20] =	ssyncset.done @!p0 $0x0  }
0x97: {  	s22 =	sshrl.u32 @!p0 s10, $0x3;
	s21 =	sadd.s32 @!p0 s24, s19;
	[sflag:s20] =	ssyncadd.s32 @!p0 $0xFFFFF380  }
0x98: {  	[hbm:s21], [sflag:s16] =	dma.local @!p0 [spmem:s22], $0xC80  }
0x99: {  	_ =	swait.ge @!p0 [sflag:s20], $0xC80  }
0x9a: {  	[sflag:s20] =	ssyncset.done @!p0 $0x0  }
0x9b: {  	s21 =	sadd.s32 @!p0 s25, s19;
	s22 =	sshrl.u32 @!p0 s12, $0x3;
	[sflag:s20] =	ssyncadd.s32 @!p0 $0xFFFFF380  }
0x9c: {  	[hbm:s21], [sflag:s16] =	dma.local @!p0 [spmem:s22], $0xC80  }
0x9d: {  	_ =	swait.ge @!p0 [sflag:s20], $0xC80  }
0x9e: {  	[sflag:s20] =	ssyncset.done @!p0 $0x0  }
0x9f: {  	s21 =	sadd.s32 @!p0 s26, s19;
	s22 =	sshrl.u32 @!p0 s15, $0x3;
	[sflag:s20] =	ssyncadd.s32 @!p0 $0xFFFFF380  }
0xa0: {  	[hbm:s21], [sflag:s16] =	dma.local @!p0 [spmem:s22], $0xC80  }
0xa1: {  	_ =	swait.ge @!p0 [sflag:s20], $0xC80  }
0xa2: {  	[sflag:s20] =	ssyncset.done @!p0 $0x0  }
0xa3: {  	s21 =	sadd.s32 @!p0 s28, s19;
	s22 =	sshrl.u32 @!p0 s17, $0x3;
	[sflag:s20] =	ssyncadd.s32 @!p0 $0xFFFFF380  }
0xa4: {  	[hbm:s21], [sflag:s16] =	dma.local @!p0 [spmem:s22], $0xC80  }
0xa5: {  	_ =	swait.ge @!p0 [sflag:s20], $0xC80  }
0xa6: {  	s4 =	sadd.s32 $0x1, s4;
	s23 =	rddreg [dreg:$0x7]  }
0xa7: {  	p4 =	sne.s32 s4, s23  }
.Ltmp2:
0xa8: {  	_ = 	snop;
	(pc) =	sbr.rel @p4 .LBB2_1-.Ltmp2, $3  }
0xa9: {  	_ =	sdelay $0x1  }
0xaa: {  	[sflag:s20] =	ssyncset.done @!p0 $0x0  }
0xab: {  	[sflag:s20] =	ssyncadd.s32 @!p0 $0xFFFFF380  }
0xac: {  	_ =	sfence.sel $0x180000  }
0xad: {  	[bflag:$0x0] =	sbarrier.arrive $0xFFFF  }
0xae: {  	_ =	strace $0x9000004D  }
0xaf: {  	[bflag:$0x2] =	sbarrier.arrive $0xFFFF  }
0xb0: {  	p0 =	sne.s32 s3, $0x0;
	s0 =	rddreg [dreg:$0x3]  }
0xb1: {  	s0 =	sadd.s32 @!p0 $0x100000, s0  }
0xb2: {  	[sflag:s0] =	ssyncadd.tile.s32 @!p0 $0x1;
	_ =	shalt  }
.Lfunc_end2:
_tile_overlayer_lowered:
.L_overlay_start_2:
0xb3: {  	(tag) =	ssettag $0x2  }
0xb4: {  	s0 =	rddreg [dreg:$0x0];
	s2 =	stileid.u32  }
0xb5: {  	s1 =	rddreg [dreg:$0x1];
	p0 =	sne.s32 s2, $0x0  }
0xb6: {  	s3 =	rddreg [dreg:$0x2];
	[bflag:$0x3] =	sbarrier.arrive $0xFFFF;
	s2 =	simm.s32 @!p0 $0x1C02  }
0xb7: {  	[timem:s3], [sflag:s2] =	dma.local @!p0 [hbm:s0], s1  }
0xb8: {  	s0 =	simm.s32 @!p0 $0x2  }
0xb9: {  	_ =	swait.ge @!p0 [sflag:s0], s1  }
0xba: {  	s1 =	ssub.s32 @!p0 $0x0, s1;
	[sflag:s0] =	ssyncset.done @!p0 $0x0  }
0xbb: {  	[sflag:s0] =	ssyncadd.s32 @!p0 s1  }
0xbc: {  	[bflag:$0x3] =	sbarrier.arrive $0xFFFF  }
0xbd: {  	_ =	shalt  }

// kernel: kernel.8.cloned.1.call-start
scs
__scs_entry_jumppad:
0x0: {  	(pc) =	sbr.rel $0x88, $3  }
0x1: {  	(tag) =	ssettag $0x0;
	lr =	simm.s32 $0x1  }
0x2: {  	[smem:$0x3F9B] =	sst lr;
	_ =	strace $0xD0000000  }
0x3: {  	_ = 	snop  }
0x4: {  	_ = 	snop  }
0x5: {  	_ = 	snop  }
0x6: {  	_ = 	snop  }
0x7: {  	_ = 	snop  }
__scs_overlays_trampoline_lowered:
0x8: {  	[smem:$0x3FAA] =	sst s0  }
0x9: {  	[smem:$0x3FAB] =	sst s1  }
0xa: {  	[smem:$0x3FAC] =	sst s2  }
0xb: {  	[smem:$0x3FAD] =	sst s3  }
0xc: {  	[smem:$0x3FAE] =	sst s4  }
0xd: {  	[smem:$0x3FAF] =	sst s5  }
0xe: {  	[smem:$0x3FB0] =	sst s6  }
0xf: {  	[smem:$0x3FB1] =	sst s7  }
0x10: {  	[smem:$0x3FB2] =	sst s8  }
0x11: {  	[smem:$0x3FB3] =	sst s9;
	s0 =	simm.s32 @!p0 $0x0  }
0x12: {  	s1 =	sld [smem:$0x3F99];
	s0 =	simm.s32 @p0 $0x1  }
0x13: {  	[smem:$0x3FB4] =	sst s0;
	s0 =	simm.s32 @!p1 $0x0  }
0x14: {  	s2 =	sld [smem:$0x3F98];
	s0 =	simm.s32 @p1 $0x1  }
0x15: {  	[smem:$0x3FB5] =	sst s0;
	s0 =	simm.s32 @!p2 $0x0  }
0x16: {  	s3 =	sld [smem:$0x3FDB];
	s0 =	simm.s32 @p2 $0x1  }
0x17: {  	s4 =	simm.s32 $0x1BF5;
	[smem:$0x3FB7] =	sst s0  }
0x18: {  	s0 =	sld [smem:$0x3F9A];
	_ =	swait.ge [sflag:s4], $0x0  }
0x19: {  	s7 =	sld [smem:$0x3F9B]  }
0x1a: {  	s8 =	sadd.s32 $0xFFFFE003, lr  }
0x1b: {  	s9 =	sadd.s32 $0xFFFFFEF7, lr;
	s5 =	simm.s32 $0xFFFFFFFF;
	p2 =	slt.u32 s8, $0xFFFFF086  }
0x1c: {  	p1 =	slt.u32 s9, $0xF7A;
	s5 =	simm.s32 @!p2 $0x0  }
0x1d: {  	s5 =	simm.s32 @p1 $0x1;
	p0 =	seq.s32 s7, s2  }
0x1e: {  	s7 =	smul.u32 @!p0 $0xF7A, s2;
	p2 =	seq.s32 @!p0 s5, $0x0  }
0x1f: {  	s9 =	smul.u32 $0xF7A, s1;
	s8 =	simm.s32 @!p0 $0x1BF5;
	p2 =	por !p2, p0  }
0x20: {  	[sflag:s8] =	ssyncset.s32 @!p0 $0xFFFFF086;
	s6 =	sadd.s32 @!p0 s3, s7;
	s7 =	simm.s32 @!p0 $0x108  }
0x21: {  	s3 =	sadd.s32 s3, s9;
	s6 =	sadd.s32 @!p0 $0x88, s6;
	s7 =	simm.s32 @p2 $0x1082  }
0x22: {  	[simem:s7], [sflag:s8] =	dma.local @!p0 [hbm:s6], $0xF7A  }
0x23: {  	s9 =	sor.u32 $0xD0000000, s2;
	s6 =	simm.s32 $0x108;
	_ =	swait.ge @!p0 [sflag:s8], $0x0  }
0x24: {  	s3 =	sadd.s32 $0x88, s3;
	s6 =	simm.s32 @!p1 $0x1082;
	[sflag:s4] =	ssyncset.s32 $0xFFFFF086  }
0x25: {  	[simem:s6], [sflag:s4] =	dma.local [hbm:s3], $0xF7A  }
0x26: {  	[smem:$0x3F9B] =	sst s1;
	(tag) =	ssettag s2;
	_ =	strace s9  }
0x27: {  	s1 =	sld [smem:$0x3FAB]  }
0x28: {  	s2 =	sld [smem:$0x3FAC]  }
0x29: {  	s4 =	sld [smem:$0x3FAE]  }
0x2a: {  	p0 =	seq.s32 s5, $0x0;
	s5 =	sld [smem:$0x3FAF]  }
0x2b: {  	s6 =	sld [smem:$0x3FB0]  }
0x2c: {  	s7 =	sld [smem:$0x3FB1]  }
0x2d: {  	s3 =	simm.s32 $0x108;
	s8 =	sld [smem:$0x3FB2]  }
0x2e: {  	s3 =	simm.s32 @!p0 $0x1082;
	s9 =	sld [smem:$0x3FB3]  }
0x2f: {  	lr =	sadd.s32 s0, s3;
	s0 =	sld [smem:$0x3FAA]  }
0x30: {  	s3 =	sld [smem:$0x3FAD]  }
0x31: {  	[smem:$0x3FB6] =	sst s10  }
0x32: {  	s10 =	sld [smem:$0x3FB4];
	_ =	sdelay $0x3  }
0x33: {  	p0 =	seq.s32 s10, $0x1;
	s10 =	sld [smem:$0x3FB6];
	_ =	sdelay $0x3  }
0x34: {  	[smem:$0x3FB6] =	sst s10  }
0x35: {  	s10 =	sld [smem:$0x3FB5];
	_ =	sdelay $0x3  }
0x36: {  	p1 =	seq.s32 s10, $0x1;
	s10 =	sld [smem:$0x3FB6];
	_ =	sdelay $0x3  }
0x37: {  	[smem:$0x3FB6] =	sst s10  }
0x38: {  	s10 =	sld [smem:$0x3FB7]  }
0x39: {  	_ = 	snop;
	(pc) =	sbr.ind lr, $3  }
0x3a: {  	_ = 	snop  }
0x3b: {  	_ = 	snop  }
0x3c: {  	p2 =	seq.s32 s10, $0x1;
	s10 =	sld [smem:$0x3FB6]  }
0x3d: {  	_ =	shalt  }
0x3e: {  	_ =	shalt  }
0x3f: {  	_ =	shalt  }
0x40: {  	_ =	shalt  }
0x41: {  	_ =	shalt  }
0x42: {  	_ =	shalt  }
0x43: {  	_ =	shalt  }
0x44: {  	_ =	shalt  }
0x45: {  	_ =	shalt  }
0x46: {  	_ =	shalt  }
0x47: {  	_ =	shalt  }
0x48: {  	_ =	shalt  }
0x49: {  	_ =	shalt  }
0x4a: {  	_ =	shalt  }
0x4b: {  	_ =	shalt  }
0x4c: {  	_ =	shalt  }
0x4d: {  	_ =	shalt  }
0x4e: {  	_ =	shalt  }
0x4f: {  	_ =	shalt  }
0x50: {  	_ =	shalt  }
0x51: {  	_ =	shalt  }
0x52: {  	_ =	shalt  }
0x53: {  	_ =	shalt  }
0x54: {  	_ =	shalt  }
0x55: {  	_ =	shalt  }
0x56: {  	_ =	shalt  }
0x57: {  	_ =	shalt  }
0x58: {  	_ =	shalt  }
0x59: {  	_ =	shalt  }
0x5a: {  	_ =	shalt  }
0x5b: {  	_ =	shalt  }
0x5c: {  	_ =	shalt  }
0x5d: {  	_ =	shalt  }
0x5e: {  	_ =	shalt  }
0x5f: {  	_ =	shalt  }
0x60: {  	_ =	shalt  }
0x61: {  	_ =	shalt  }
0x62: {  	_ =	shalt  }
0x63: {  	_ =	shalt  }
0x64: {  	_ =	shalt  }
0x65: {  	_ =	shalt  }
0x66: {  	_ =	shalt  }
0x67: {  	_ =	shalt  }
0x68: {  	_ =	shalt  }
0x69: {  	_ =	shalt  }
0x6a: {  	_ =	shalt  }
0x6b: {  	_ =	shalt  }
0x6c: {  	_ =	shalt  }
0x6d: {  	_ =	shalt  }
0x6e: {  	_ =	shalt  }
0x6f: {  	_ =	shalt  }
0x70: {  	_ =	shalt  }
0x71: {  	_ =	shalt  }
0x72: {  	_ =	shalt  }
0x73: {  	_ =	shalt  }
0x74: {  	_ =	shalt  }
0x75: {  	_ =	shalt  }
0x76: {  	_ =	shalt  }
0x77: {  	_ =	shalt  }
0x78: {  	_ =	shalt  }
0x79: {  	_ =	shalt  }
0x7a: {  	_ =	shalt  }
0x7b: {  	_ =	shalt  }
0x7c: {  	_ =	shalt  }
0x7d: {  	_ =	shalt  }
0x7e: {  	_ =	shalt  }
0x7f: {  	_ =	shalt  }
0x80: {  	_ =	shalt  }
0x81: {  	_ =	shalt  }
0x82: {  	_ =	shalt  }
0x83: {  	_ =	shalt  }
0x84: {  	_ =	shalt  }
0x85: {  	_ =	shalt  }
0x86: {  	_ =	shalt  }
0x87: {  	_ =	shalt  }
.Lfunc_end0:
.L_simem_size_0:
called_computation_lowered:
.L_overlay_start_0:
0x88: {  	s2 =	sld [smem:$0x3FD9]  }
0x89: {  	s3 =	sld [smem:$0x3FFE];
	_ =	sdelay $0x1  }
0x8a: {  	s1 =	srdreg.scid  }
0x8b: {  	s0 =	sand.u32 $0x1, s1  }
0x8c: {  	s17 =	sshll.u32 s0, $0xA;
	s2 =	sadd.s32 s3, s2  }
0x8d: {  	s2 =	sadd.s32 s2, s17  }
0x8e: {  	[smem:$0x3FC2] =	sst s2  }
0x8f: {  	_ = 	snop  }
0x90: {  	s2 =	sld [smem:$0x3FD0];
	(tm) =	ssettm $0x1  }
0x91: {  	s18 =	sld [smem:$0x3FFB];
	_ =	sdelay $0x3  }
0x92: {  	_ =	strace s18  }
0x93: {  	s3 =	sld [smem:$0x3FFC];
	_ =	sdelay $0x3  }
0x94: {  	_ =	strace s3  }
0x95: {  	s3 =	sld [smem:$0x3FFD];
	_ =	sdelay $0x3  }
0x96: {  	_ =	strace s3  }
0x97: {  	_ =	strace $0x8FFFFFFF  }
0x98: {  	s19 =	sld [smem:$0x3FDB];
	_ =	sdelay $0x1  }
0x99: {  	s4 =	simm.s32 $_scs_section_size  }
0x9a: {  	s5 =	simm.s32 $_size__tile_overlayer_lowered;
	s6 =	simm.s32 $_tile_overlayer_lowered  }
0x9b: {  	s22 =	simm.s32 $0x1BFF;
	s21 =	sshll.u32 s6, $0x1;
	s3 =	sadd.s32 s4, s19  }
0x9c: {  	s7 =	simm.s32 $0x0;
	s20 =	sshll.u32 s5, $0x1;
	s5 =	sadd.s32 s21, s3  }
0x9d: {  	[timem:s7], [sflag:s22] =	dma.local [hbm:s5], s20  }
0x9e: {  	_ =	swait.ge [sflag:s22], s20  }
0x9f: {  	s4 =	ssub.s32 $0x0, s20;
	[sflag:s22] =	ssyncset.done $0x0  }
0xa0: {  	[sflag:s22] =	ssyncadd.s32 s4;
	_ =	sdelay $0x1  }
0xa1: {  	s23 =	simm.s32 $0x1B8B  }
0xa2: {  	_ =	swait.ge [sflag:s23], $0x1  }
0xa3: {  	[sflag:s23] =	ssyncset.done $0x0  }
0xa4: {  	s25 =	simm.s32 $0x1B8E;
	s24 =	sld [smem:$0x3FFE];
	[sflag:s23] =	ssyncadd.s32 $0xFFFFFFFF  }
0xa5: {  	s26 =	simm.s32 $execute0_lowered;
	[smem:$0x3FD2] =	sst s25  }
0xa6: {  	s5 =	sshll.u32 s26, $0x1;
	_ =	strace $0x80000046;
	[dreg:$0x1] =	wrdreg $0xFFFFFFFF  }
0xa7: {  	s28 =	simm.s32 $_size_execute0_lowered;
	s3 =	sadd.s32 s3, s5;
	[dreg:$0x0] =	wrdreg $0x0  }
0xa8: {  	s5 =	sshll.u32 s28, $0x1;
	[dreg:$0x2] =	wrdreg s3  }
0xa9: {  	[dreg:$0x3] =	wrdreg s5  }
0xaa: {  	[dreg:$0x4] =	wrdreg $0xC0  }
0xab: {  	_ =	task [dreg:s7], $0x5FFFF  }
0xac: {  	[dreg:$0x1] =	wrdreg $0xFFFFFFFF  }
0xad: {  	[dreg:$0x0] =	wrdreg $0x60  }
0xae: {  	[dreg:$0x2] =	wrdreg s2  }
0xaf: {  	[dreg:$0x3] =	wrdreg s24  }
0xb0: {  	[dreg:$0x4] =	wrdreg $0x0  }
0xb1: {  	[dreg:$0x5] =	wrdreg $0x9  }
0xb2: {  	_ =	task.clear_ibuf [dreg:s7], $0x6FFFF;
	_ =	strace $0x90000046  }
0xb3: {  	s29 =	simm.s32 $0x9;
	_ =	strace $0x80000048  }
0xb4: {  	_ =	swait.ge [sflag:s29], $0x1  }
0xb5: {  	[sflag:s29] =	ssyncadd.s32 $0xFFFFFFFF  }
0xb6: {  	_ =	strace $0x90000048  }
0xb7: {  	_ =	sfence  }
0xb8: {  	s30 =	sld [smem:$0x0];
	_ =	sdelay $0x2  }
0xb9: {  	s31 =	sshll.u32 s1, $0xD;
	s1 =	sshrl.u32 s1, $0x2  }
0xba: {  	s3 =	sand.u32 $0x4000, s31;
	s1 =	sadd.s32 s1, s30  }
0xbb: {  	s0 =	sor.u32 s3, s0;
	s1 =	sshll.u32 s1, $0x11  }
0xbc: {  	s0 =	sor.u32 s1, s0  }
0xbd: {  	s0 =	sadd.s32 $0x8F2B, s0  }
0xbe: {  	[sflag:s0] =	ssyncadd.remote.s32 $0x1  }
0xbf: {  	_ =	sfence.sel $0xFFFF  }
0xc0: {  	[dreg:$0x0] =	wrdreg $0xFFFFFFFF;
	(pc) =	sbr.abs _section_cstart, $3  }
0xc1: {  	[dreg:$0x1] =	wrdreg $0xFFFFFFFF  }
0xc2: {  	_ =	task.clear_ibuf [dreg:s7], $0x2FFFF;
	_ =	strace $0x9FFFFFFF  }
0xc3: {  	(tm) =	ssettm $0x7FFFFFFF  }
tec
execute0_lowered:
.L_overlay_start_1:
0x0: {  	(tag) =	ssettag $0x1  }
0x1: {  	s1 =	srdreg.scid  }
0x2: {  	s0 =	stileid.u32;
	s19 =	sand.u32 $0x1, s1  }
0x3: {  	s4 =	rddreg [dreg:$0x0];
	s2 =	sshrl.u32 s0, $0x3;
	s1 =	smul.u32 $0x28000, s19  }
0x4: {  	s22 =	rddreg [dreg:$0x1];
	s3 =	smul.u32 $0x14000, s2  }
0x5: {  	s7 =	simm.s32 $0x280;
	s8 =	simm.s32 $0x1;
	s5 =	sshll.u32 s0, $0x7  }
0x6: {  	s2 =	rddreg [dreg:$0x2];
	s5 =	sand.u32 $0x380, s5;
	s6 =	sadd.s32 s1, s3  }
0x7: {  	s1 =	rddreg [dreg:$0x3];
	s3 =	simm.s32 $0x0;
	s5 =	sor.u32 s5, s6  }
0x8: {  	[smem:$0x7FF] =	sst s3;
	s6 =	simm.s32 $0x400;
	s5 =	sshrl.u32 s5, $0x3  }
0x9: {  	_ =	strace $0x80000047;
	s4 =	sadd.s32 s4, s5;
	s5 =	simm.s32 $0x80  }
0xa: {  	[tilespmem:s7], [sflag:$0x1] =	stream.strided.gather [hbm4b:s4+s5], $0x2800, s6, s5, $0x38;
	[tilespmem:$0x5280] =	vst v63  }
0xb: {  	_ =	swait.ge [sflag:s8], $0x2800  }
0xc: {  	[sflag:s8] =	ssyncset.done $0x0  }
0xd: {  	s10 =	simm.s32 $0x2A80;
	s9 =	sadd.s32 $0x2600, s22;
	[sflag:s8] =	ssyncadd.s32 $0xFFFFD800  }
0xe: {  	[tilespmem:s10], [sflag:$0x1] =	stream.linear.gather [hbm4b:s9+s3], $0x2800, $0x38;
	[tilespmem:$0x5280] =	vst v63  }
0xf: {  	_ =	swait.ge [sflag:s8], $0x2800  }
0x10: {  	p0 =	sgt.u32 s0, $0x4;
	s15 =	sadd.s32 $0x2C00, s22;
	[sflag:s8] =	ssyncset.done $0x0  }
0x11: {  	s11 =	simm.s32 @p0 $0x2A80;
	s12 =	simm.s32 @p0 $0x1;
	[sflag:s8] =	ssyncadd.s32 $0xFFFFD800  }
0x12: {  	s13 =	simm.s32 @p0 $0x2800;
	s14 =	simm.s32 @p0 $0x280;
	[bflag:$0x0] =	sbarrier.arrive @p0 $0xFFFF  }
0x13: {  	[spmem:s2] =	stream.indirect.scatter.add.f32 @p0 [tilespmem:s11], [sflag:$0x1], $0x1, s14, s13, $0xb8;
	[tilespmem:$0x5280] =	vst v63  }
0x14: {  	s23 =	sshll.u32 s0, $0xB;
	s16 =	sshll.u32 @!p0 s0, $0x6;
	_ =	swait.ge @p0 [sflag:s12], $0x2800  }
0x15: {  	s24 =	smul.u32 $0x2800, s19;
	s25 =	ssub.s32 $0x2, s19;
	[sflag:s12] =	ssyncset.done @p0 $0x0  }
0x16: {  	s18 =	sadd.s32 s23, s2;
	s17 =	sor.u32 @!p0 $0x1C01, s16;
	[sflag:s12] =	ssyncadd.s32 @p0 $0xFFFFD800  }
0x17: {  	s16 =	simm.s32 @!p0 $0x1;
	s18 =	sshrl.u32 @!p0 s18, $0x3;
	[bflag:$0x0] =	sbarrier.arrive @p0 $0xFFFF  }
0x18: {  	[spmem:s18], [sflag:s17] =	dma.local @!p0 [hbm:s15], $0x100  }
0x19: {  	s19 =	simm.s32 @!p0 $0x2A80;
	s20 =	simm.s32 @!p0 $0x2800;
	_ =	swait.ge @!p0 [sflag:s16], $0x100  }
0x1a: {  	s21 =	simm.s32 @!p0 $0x280;
	s30 =	sshrl.u32 s25, $0x1;
	[sflag:s16] =	ssyncset.done @!p0 $0x0  }
0x1b: {  	s23 =	sadd.s32 s23, s24;
	s24 =	ssub.s32 s25, s30;
	[sflag:s16] =	ssyncadd.s32 @!p0 $0xFFFFFF00  }
0x1c: {  	s23 =	sshrl.u32 s23, $0x3;
	s31 =	smax.u32 s24, $0x1;
	[bflag:$0x0] =	sbarrier.arrive @!p0 $0xFFFF  }
0x1d: {  	[spmem:s2] =	stream.indirect.scatter.add.f32 @!p0 [tilespmem:s19], [sflag:$0x1], $0x1, s21, s20, $0xb8;
	[tilespmem:$0x5280] =	vst v63  }
0x1e: {  	s22 =	sadd.s32 s23, s22;
	s23 =	sadd.s32 $0xFFFFFFFF, s31;
	_ =	swait.ge @!p0 [sflag:s16], $0x2800  }
0x1f: {  	p1 =	sne.s32 s23, $0x0;
	[sflag:s16] =	ssyncset.done @!p0 $0x0  }
.Ltmp0:
0x20: {  	[sflag:s16] =	ssyncadd.s32 @!p0 $0xFFFFD800;
	(pc) =	sbr.rel @!p1 .LBB2_2-.Ltmp0, $4  }
0x21: {  	s22 =	sadd.s32 $0x2E00, s22;
	[bflag:$0x0] =	sbarrier.arrive @!p0 $0xFFFF  }
0x22: {  	[hbm:s22], [sflag:s17] =	dma.local @!p0 [spmem:s18], $0x100  }
0x23: {  	_ =	swait.ge @!p0 [sflag:s16], $0x100  }
0x24: {  	[sflag:s16] =	ssyncset.done @!p0 $0x0  }
.LBB2_1:
0x25: {  	s23 =	sadd.s32 $0xFFFFFFFF, s23;
	[sflag:s16] =	ssyncadd.s32 @!p0 $0xFFFFFF00  }
0x26: {  	[tilespmem:s7], [sflag:$0x1] =	stream.strided.gather [hbm4b:s4+s5], $0x2800, s6, s5, $0x38;
	[tilespmem:$0x5280] =	vst v63  }
0x27: {  	p1 =	sne.s32 s23, $0x0;
	_ =	swait.ge [sflag:s8], $0x2800  }
0x28: {  	[sflag:s8] =	ssyncset.done $0x0  }
0x29: {  	[sflag:s8] =	ssyncadd.s32 $0xFFFFD800  }
0x2a: {  	[tilespmem:s10], [sflag:$0x1] =	stream.linear.gather [hbm4b:s9+s3], $0x2800, $0x38;
	[tilespmem:$0x5280] =	vst v63  }
0x2b: {  	_ =	swait.ge [sflag:s8], $0x2800  }
0x2c: {  	[sflag:s8] =	ssyncset.done $0x0  }
0x2d: {  	[sflag:s8] =	ssyncadd.s32 $0xFFFFD800  }
0x2e: {  	[bflag:$0x0] =	sbarrier.arrive @p0 $0xFFFF  }
0x2f: {  	[spmem:s2] =	stream.indirect.scatter.add.f32 @p0 [tilespmem:s11], [sflag:$0x1], $0x1, s14, s13, $0xb8;
	[tilespmem:$0x5280] =	vst v63  }
0x30: {  	_ =	swait.ge @p0 [sflag:s12], $0x2800  }
0x31: {  	[sflag:s12] =	ssyncset.done @p0 $0x0  }
0x32: {  	[sflag:s12] =	ssyncadd.s32 @p0 $0xFFFFD800  }
0x33: {  	[bflag:$0x0] =	sbarrier.arrive @p0 $0xFFFF  }
0x34: {  	[spmem:s18], [sflag:s17] =	dma.local @!p0 [hbm:s15], $0x100  }
0x35: {  	_ =	swait.ge @!p0 [sflag:s16], $0x100  }
0x36: {  	[sflag:s16] =	ssyncset.done @!p0 $0x0  }
0x37: {  	[sflag:s16] =	ssyncadd.s32 @!p0 $0xFFFFFF00  }
0x38: {  	[bflag:$0x0] =	sbarrier.arrive @!p0 $0xFFFF  }
0x39: {  	[spmem:s2] =	stream.indirect.scatter.add.f32 @!p0 [tilespmem:s19], [sflag:$0x1], $0x1, s21, s20, $0xb8;
	[tilespmem:$0x5280] =	vst v63  }
0x3a: {  	_ =	swait.ge @!p0 [sflag:s16], $0x2800  }
0x3b: {  	[sflag:s16] =	ssyncset.done @!p0 $0x0  }
.Ltmp1:
0x3c: {  	[sflag:s16] =	ssyncadd.s32 @!p0 $0xFFFFD800;
	(pc) =	sbr.rel @p1 .LBB2_1-.Ltmp1, $4  }
0x3d: {  	[bflag:$0x0] =	sbarrier.arrive @!p0 $0xFFFF  }
0x3e: {  	[hbm:s22], [sflag:s17] =	dma.local @!p0 [spmem:s18], $0x100  }
0x3f: {  	_ =	swait.ge @!p0 [sflag:s16], $0x100  }
0x40: {  	[sflag:s16] =	ssyncset.done @!p0 $0x0  }
.LBB2_2:
0x41: {  	[sflag:s16] =	ssyncadd.s32 @!p0 $0xFFFFFF00  }
0x42: {  	_ =	sfence.sel $0x180000  }
0x43: {  	[bflag:$0x0] =	sbarrier.arrive $0xFFFF  }
0x44: {  	p0 =	sne.s32 s0, $0x0;
	_ =	strace $0x90000047  }
0x45: {  	s0 =	sadd.s32 @!p0 $0x100000, s1;
	[bflag:$0x2] =	sbarrier.arrive $0xFFFF  }
0x46: {  	[sflag:s0] =	ssyncadd.tile.s32 @!p0 $0x1;
	_ =	shalt  }
.Lfunc_end2:
_tile_overlayer_lowered:
.L_overlay_start_2:
0x47: {  	(tag) =	ssettag $0x2  }
0x48: {  	s0 =	rddreg [dreg:$0x0];
	s2 =	stileid.u32  }
0x49: {  	s1 =	rddreg [dreg:$0x1];
	p0 =	sne.s32 s2, $0x0  }
0x4a: {  	s3 =	rddreg [dreg:$0x2];
	[bflag:$0x3] =	sbarrier.arrive $0xFFFF;
	s2 =	simm.s32 @!p0 $0x1C01  }
0x4b: {  	[timem:s3], [sflag:s2] =	dma.local @!p0 [hbm:s0], s1  }
0x4c: {  	s0 =	simm.s32 @!p0 $0x1  }
0x4d: {  	_ =	swait.ge @!p0 [sflag:s0], s1  }
0x4e: {  	s1 =	ssub.s32 @!p0 $0x0, s1;
	[sflag:s0] =	ssyncset.done @!p0 $0x0  }
0x4f: {  	[sflag:s0] =	ssyncadd.s32 @!p0 s1  }
0x50: {  	[bflag:$0x3] =	sbarrier.arrive $0xFFFF  }
0x51: {  	_ =	shalt  }

</sc_bundles>
